<compile_context>
chip_gen: v7x
topology: tpu7x:2x2x1
jax: 0.10.2.dev20260603
libtpu: 0.0.44.dev20260713+nightly
codegen_flags: <defaults>
</compile_context>

<pallas_src>
import jax
import jax.numpy as jnp
from jax import lax
from jax.experimental import pallas as pl
from jax.experimental.pallas import tpu as pltpu
from jax.experimental.pallas import tpu_sc as plsc

B = 4096
D = 128
L = 16
NC = 2
NS = 16
NW = NC * NS
BPW = B // NW
CHUNKS = D // L
GROUPS = BPW // L
AGE_ROWS = 10
CAT_ROWS = 1000

IU, II, IA, IC = 0, 1, 2, 3


def _fm_body(uid_hbm, age_hbm, iid_hbm, cat_hbm,
             uw_hbm, aw_hbm, iw_hbm, cw_hbm,
             ue_hbm, ae_hbm, ie_hbm, ce_hbm,
             bias_hbm, out_hbm,
             idx_v,
             urows, irows, crows,
             uw_v, iw_v, aw_tab, cw_tab, ae_tab,
             out_v, bias_v, sem_idx, sem_tab, sem_rows, sem_w):
    wid = lax.axis_index("s") * NC + lax.axis_index("c")
    base = wid * BPW

    cp_iu = pltpu.async_copy(uid_hbm.at[pl.ds(base, BPW)], idx_v.at[IU], sem_idx)
    cp_ii = pltpu.async_copy(iid_hbm.at[pl.ds(base, BPW)], idx_v.at[II], sem_idx)
    cp_ia = pltpu.async_copy(age_hbm.at[pl.ds(base, BPW)], idx_v.at[IA], sem_idx)
    cp_ic = pltpu.async_copy(cat_hbm.at[pl.ds(base, BPW)], idx_v.at[IC], sem_idx)
    cp_aw = pltpu.async_copy(aw_hbm, aw_tab, sem_tab)
    cp_cw = pltpu.async_copy(cw_hbm, cw_tab, sem_tab)
    cp_ae = pltpu.async_copy(ae_hbm, ae_tab, sem_tab)
    cp_bias = pltpu.async_copy(bias_hbm, bias_v.at[pl.ds(0, 1)], sem_tab)

    for c in (cp_iu, cp_ii, cp_ia, cp_ic):
        c.wait()

    cp_ue = pltpu.async_copy(ue_hbm.at[idx_v.at[IU]], urows, sem_rows)
    cp_ie = pltpu.async_copy(ie_hbm.at[idx_v.at[II]], irows, sem_rows)
    cp_ce = pltpu.async_copy(ce_hbm.at[idx_v.at[IC]], crows, sem_rows)
    cp_uw = pltpu.async_copy(uw_hbm.at[idx_v.at[IU]], uw_v, sem_w)
    cp_iw = pltpu.async_copy(iw_hbm.at[idx_v.at[II]], iw_v, sem_w)

    for c in (cp_ue, cp_ie, cp_ce, cp_aw, cp_cw, cp_ae, cp_bias):
        c.wait()

    lane = lax.iota(jnp.int32, L)
    last_mask = lane == (L - 1)
    row_ia = jnp.full((L,), IA, jnp.int32)

    def elem(e, carry):
        age_vec = plsc.load_gather(idx_v, [row_ia, jnp.full((L,), e, jnp.int32)])
        acc = jnp.zeros((L,), jnp.float32)
        for c in range(CHUNKS):
            sl = pl.ds(c * L, L)
            arow = plsc.load_gather(ae_tab, [age_vec, lane + (c * L)])
            acc = acc + (urows[e, sl] + arow) * (irows[e, sl] + crows[e, sl])
        tot = plsc.cumsum(acc)
        idx = jnp.full((L,), e, jnp.int32)
        plsc.store_scatter(out_v, [idx], tot, mask=last_mask)
        return carry

    lax.fori_loop(0, BPW, elem, 0, unroll=4)

    cp_uw.wait()
    cp_iw.wait()
    bias_s = bias_v[...][0]

    for g in range(GROUPS):
        sl = pl.ds(g * L, L)
        age16 = idx_v[IA, sl]
        cat16 = idx_v[IC, sl]
        lin = (uw_v[sl] + iw_v[sl]
               + plsc.load_gather(aw_tab, [age16])
               + plsc.load_gather(cw_tab, [cat16]))
        out_v[sl] = out_v[sl] + lin + bias_s

    pltpu.sync_copy(out_v, out_hbm.at[pl.ds(base, BPW)])


@jax.jit
def _fm_call(uid, age, iid, cat, uw, aw, iw, cw, ue, ae, ie, ce, bias):
    mesh = plsc.VectorSubcoreMesh(core_axis_name="c", subcore_axis_name="s")
    f = pl.kernel(
        _fm_body,
        out_type=jax.ShapeDtypeStruct((B,), jnp.float32),
        mesh=mesh,
        compiler_params=pltpu.CompilerParams(needs_layout_passes=False,
                                             skip_device_barrier=True),
        scratch_types=[
            pltpu.VMEM((4, BPW), jnp.int32),
            pltpu.VMEM((BPW, D), jnp.float32),
            pltpu.VMEM((BPW, D), jnp.float32),
            pltpu.VMEM((BPW, D), jnp.float32),
            pltpu.VMEM((BPW,), jnp.float32),
            pltpu.VMEM((BPW,), jnp.float32),
            pltpu.VMEM((AGE_ROWS,), jnp.float32),
            pltpu.VMEM((CAT_ROWS,), jnp.float32),
            pltpu.VMEM((AGE_ROWS, D), jnp.float32),
            pltpu.VMEM((BPW,), jnp.float32),
            pltpu.VMEM((L,), jnp.float32),
            pltpu.SemaphoreType.DMA,
            pltpu.SemaphoreType.DMA,
            pltpu.SemaphoreType.DMA,
            pltpu.SemaphoreType.DMA,
        ],
    )
    return f(uid, age, iid, cat, uw, aw, iw, cw, ue, ae, ie, ce, bias)


def kernel(user_id, user_age, item_id, item_cat,
           user_id_weight, user_age_weight, item_id_weight, item_cat_weight,
           user_id_embed, user_age_embed, item_id_embed, item_cat_embed,
           bias):
    return _fm_call(user_id.astype(jnp.int32), user_age.astype(jnp.int32),
                    item_id.astype(jnp.int32), item_cat.astype(jnp.int32),
                    jnp.reshape(user_id_weight, (-1,)),
                    jnp.reshape(user_age_weight, (-1,)),
                    jnp.reshape(item_id_weight, (-1,)),
                    jnp.reshape(item_cat_weight, (-1,)),
                    user_id_embed, user_age_embed, item_id_embed,
                    item_cat_embed, bias)

# --- scband reference (transcript-rebuilt; emitter-appended) ---
"""Pipeline reference for scband-fmrecall-5050881540345 (READ-ONLY COPY).

The authoritative reference and input builder live on the scoring server;
editing this copy changes nothing except your own understanding.
"""

import jax, jax.numpy as jnp
import numpy as np

B = 4096
NUM_USERS = 100000
ITEM_VOCAB = 100000
AGE_BIN = 10
ITEM_CAT = 1000
D = 128


def setup_inputs(seed: int = 0) -> dict:
    key = jax.random.key(seed)
    ks = jax.random.split(key, 13)
    inp = {
        "user_id": jax.random.randint(ks[0], (B,), 0, NUM_USERS),
        "user_age": jax.random.randint(ks[1], (B,), 0, AGE_BIN),
        "item_id": jax.random.randint(ks[2], (B,), 0, ITEM_VOCAB),
        "item_cat": jax.random.randint(ks[3], (B,), 0, ITEM_CAT),
        "user_id_weight": jax.random.normal(ks[4], (NUM_USERS, 1), dtype=jnp.float32) * 0.02,
        "user_age_weight": jax.random.normal(ks[5], (AGE_BIN, 1), dtype=jnp.float32) * 0.02,
        "item_id_weight": jax.random.normal(ks[6], (ITEM_VOCAB, 1), dtype=jnp.float32) * 0.02,
        "item_cat_weight": jax.random.normal(ks[7], (ITEM_CAT, 1), dtype=jnp.float32) * 0.02,
        "user_id_embed": jax.random.normal(ks[8], (NUM_USERS, D), dtype=jnp.float32) * 0.02,
        "user_age_embed": jax.random.normal(ks[9], (AGE_BIN, D), dtype=jnp.float32) * 0.02,
        "item_id_embed": jax.random.normal(ks[10], (ITEM_VOCAB, D), dtype=jnp.float32) * 0.02,
        "item_cat_embed": jax.random.normal(ks[11], (ITEM_CAT, D), dtype=jnp.float32) * 0.02,
        "bias": jnp.zeros((1,), dtype=jnp.float32),
    }
    return inp


def reference(user_id, user_age, item_id, item_cat,
              user_id_weight, user_age_weight, item_id_weight, item_cat_weight,
              user_id_embed, user_age_embed, item_id_embed, item_cat_embed,
              bias):
    # linear (first-order) part: per-feature scalar weights gathered by index
    lin = (jnp.take(user_id_weight, user_id, axis=0)
           + jnp.take(user_age_weight, user_age, axis=0)
           + jnp.take(item_id_weight, item_id, axis=0)
           + jnp.take(item_cat_weight, item_cat, axis=0))  # (B, 1)
    # second-order FM part: sum of user-side embeds dot sum of item-side embeds
    user_embed = jnp.take(user_id_embed, user_id, axis=0) + jnp.take(user_age_embed, user_age, axis=0)  # (B, D)
    item_embed = jnp.take(item_id_embed, item_id, axis=0) + jnp.take(item_cat_embed, item_cat, axis=0)  # (B, D)
    inter = jnp.sum(user_embed * item_embed, axis=1, keepdims=True)  # (B, 1)
    score = lin + inter + bias  # (B, 1), bias broadcast
    return jnp.squeeze(score, axis=1)  # (B,)

if __name__ == "__main__":
    import jax
    _d = setup_inputs()
    print(jax.jit(kernel)(*tuple(_d.values())))

</pallas_src>

<mosaic_0001>
#map = affine_map<(d0, d1) -> (0)>
#map1 = affine_map<(d0, d1) -> (0, 0)>
module attributes {stable_mosaic.version = 14 : i64} {
  func.func @_fm_body(%arg0: i32, %arg1: i32, %arg2: memref<4096xi32, #tpu.memory_space<hbm>>, %arg3: memref<4096xi32, #tpu.memory_space<hbm>>, %arg4: memref<4096xi32, #tpu.memory_space<hbm>>, %arg5: memref<4096xi32, #tpu.memory_space<hbm>>, %arg6: memref<100000xf32, #tpu.memory_space<hbm>>, %arg7: memref<10xf32, #tpu.memory_space<hbm>>, %arg8: memref<100000xf32, #tpu.memory_space<hbm>>, %arg9: memref<1000xf32, #tpu.memory_space<hbm>>, %arg10: memref<100000x128xf32, #tpu.memory_space<hbm>>, %arg11: memref<10x128xf32, #tpu.memory_space<hbm>>, %arg12: memref<100000x128xf32, #tpu.memory_space<hbm>>, %arg13: memref<1000x128xf32, #tpu.memory_space<hbm>>, %arg14: memref<1xf32, #tpu.memory_space<hbm>>, %arg15: memref<4096xf32, #tpu.memory_space<hbm>>, %arg16: memref<4x128xi32, #tpu.memory_space<vmem>>, %arg17: memref<128x128xf32, #tpu.memory_space<vmem>>, %arg18: memref<128x128xf32, #tpu.memory_space<vmem>>, %arg19: memref<128x128xf32, #tpu.memory_space<vmem>>, %arg20: memref<128xf32, #tpu.memory_space<vmem>>, %arg21: memref<128xf32, #tpu.memory_space<vmem>>, %arg22: memref<10xf32, #tpu.memory_space<vmem>>, %arg23: memref<1000xf32, #tpu.memory_space<vmem>>, %arg24: memref<10x128xf32, #tpu.memory_space<vmem>>, %arg25: memref<128xf32, #tpu.memory_space<vmem>>, %arg26: memref<16xf32, #tpu.memory_space<vmem>>, %arg27: memref<!tpu.dma_semaphore, #tpu.memory_space<semaphore_mem>>, %arg28: memref<!tpu.dma_semaphore, #tpu.memory_space<semaphore_mem>>, %arg29: memref<!tpu.dma_semaphore, #tpu.memory_space<semaphore_mem>>, %arg30: memref<!tpu.dma_semaphore, #tpu.memory_space<semaphore_mem>>) attributes {dimension_semantics = [#tpu.dimension_semantics<core_parallel>, #tpu.dimension_semantics<subcore_parallel>], iteration_bounds = array<i64: 2, 16>, scalar_prefetch = 0 : i64, scratch_operands = 15 : i64, tpu.core_type = #tpu.core_type<sc_vector_subcore>, window_params = [{transform_indices = #map}, {transform_indices = #map}, {transform_indices = #map}, {transform_indices = #map}, {transform_indices = #map}, {transform_indices = #map}, {transform_indices = #map}, {transform_indices = #map}, {transform_indices = #map1}, {transform_indices = #map1}, {transform_indices = #map1}, {transform_indices = #map1}, {transform_indices = #map}, {transform_indices = #map}]} {
    %mul3A = arith.constant 2 : i32
    %mul3A_0 = arith.muli %arg1, %mul3A : i32
    %add3A = arith.addi %mul3A_0, %arg0 : i32
    %mul3A_1 = arith.constant 128 : i32
    %mul3A_2 = arith.muli %add3A, %mul3A_1 : i32
    %dma_start3A = arith.constant 0 : i32
    %dma_start3A_3 = arith.constant 0 : i32
    %dma_start3A_4 = tpu.memref_slice %arg16[%dma_start3A, %dma_start3A_3] : memref<4x128xi32, #tpu.memory_space<vmem>> -> memref<1x128xi32, #tpu.memory_space<vmem>>
    %dma_start3A_5 = tpu.memref_squeeze %dma_start3A_4 : memref<1x128xi32, #tpu.memory_space<vmem>> -> memref<128xi32, #tpu.memory_space<vmem>>
    %dma_start3A_6 = tpu.memref_slice %arg2[%mul3A_2] : memref<4096xi32, #tpu.memory_space<hbm>> -> memref<128xi32, #tpu.memory_space<hbm>>
    %dma_start3A_7 = arith.constant 0 : i32
    %dma_start3A_8 = tpu.memref_slice %arg16[%dma_start3A, %dma_start3A_7] : memref<4x128xi32, #tpu.memory_space<vmem>> -> memref<1x128xi32, #tpu.memory_space<vmem>>
    %dma_start3A_9 = tpu.memref_squeeze %dma_start3A_8 : memref<1x128xi32, #tpu.memory_space<vmem>> -> memref<128xi32, #tpu.memory_space<vmem>>
    %dma_start3A_10 = tpu.memref_slice %arg2[%mul3A_2] : memref<4096xi32, #tpu.memory_space<hbm>> -> memref<128xi32, #tpu.memory_space<hbm>>
    tpu.enqueue_dma source(%dma_start3A_10 : memref<128xi32, #tpu.memory_space<hbm>>) target(%dma_start3A_9 : memref<128xi32, #tpu.memory_space<vmem>>) target_semaphore(%arg27 : memref<!tpu.dma_semaphore, #tpu.memory_space<semaphore_mem>>)
    %dma_start3A_11 = arith.constant 1 : i32
    %dma_start3A_12 = arith.constant 0 : i32
    %dma_start3A_13 = tpu.memref_slice %arg16[%dma_start3A_11, %dma_start3A_12] : memref<4x128xi32, #tpu.memory_space<vmem>> -> memref<1x128xi32, #tpu.memory_space<vmem>>
    %dma_start3A_14 = tpu.memref_squeeze %dma_start3A_13 : memref<1x128xi32, #tpu.memory_space<vmem>> -> memref<128xi32, #tpu.memory_space<vmem>>
    %dma_start3A_15 = tpu.memref_slice %arg4[%mul3A_2] : memref<4096xi32, #tpu.memory_space<hbm>> -> memref<128xi32, #tpu.memory_space<hbm>>
    %dma_start3A_16 = arith.constant 0 : i32
    %dma_start3A_17 = tpu.memref_slice %arg16[%dma_start3A_11, %dma_start3A_16] : memref<4x128xi32, #tpu.memory_space<vmem>> -> memref<1x128xi32, #tpu.memory_space<vmem>>
    %dma_start3A_18 = tpu.memref_squeeze %dma_start3A_17 : memref<1x128xi32, #tpu.memory_space<vmem>> -> memref<128xi32, #tpu.memory_space<vmem>>
    %dma_start3A_19 = tpu.memref_slice %arg4[%mul3A_2] : memref<4096xi32, #tpu.memory_space<hbm>> -> memref<128xi32, #tpu.memory_space<hbm>>
    tpu.enqueue_dma source(%dma_start3A_19 : memref<128xi32, #tpu.memory_space<hbm>>) target(%dma_start3A_18 : memref<128xi32, #tpu.memory_space<vmem>>) target_semaphore(%arg27 : memref<!tpu.dma_semaphore, #tpu.memory_space<semaphore_mem>>)
    %dma_start3A_20 = arith.constant 2 : i32
    %dma_start3A_21 = arith.constant 0 : i32
    %dma_start3A_22 = tpu.memref_slice %arg16[%dma_start3A_20, %dma_start3A_21] : memref<4x128xi32, #tpu.memory_space<vmem>> -> memref<1x128xi32, #tpu.memory_space<vmem>>
    %dma_start3A_23 = tpu.memref_squeeze %dma_start3A_22 : memref<1x128xi32, #tpu.memory_space<vmem>> -> memref<128xi32, #tpu.memory_space<vmem>>
    %dma_start3A_24 = tpu.memref_slice %arg3[%mul3A_2] : memref<4096xi32, #tpu.memory_space<hbm>> -> memref<128xi32, #tpu.memory_space<hbm>>
    %dma_start3A_25 = arith.constant 0 : i32
    %dma_start3A_26 = tpu.memref_slice %arg16[%dma_start3A_20, %dma_start3A_25] : memref<4x128xi32, #tpu.memory_space<vmem>> -> memref<1x128xi32, #tpu.memory_space<vmem>>
    %dma_start3A_27 = tpu.memref_squeeze %dma_start3A_26 : memref<1x128xi32, #tpu.memory_space<vmem>> -> memref<128xi32, #tpu.memory_space<vmem>>
    %dma_start3A_28 = tpu.memref_slice %arg3[%mul3A_2] : memref<4096xi32, #tpu.memory_space<hbm>> -> memref<128xi32, #tpu.memory_space<hbm>>
    tpu.enqueue_dma source(%dma_start3A_28 : memref<128xi32, #tpu.memory_space<hbm>>) target(%dma_start3A_27 : memref<128xi32, #tpu.memory_space<vmem>>) target_semaphore(%arg27 : memref<!tpu.dma_semaphore, #tpu.memory_space<semaphore_mem>>)
    %dma_start3A_29 = arith.constant 3 : i32
    %dma_start3A_30 = arith.constant 0 : i32
    %dma_start3A_31 = tpu.memref_slice %arg16[%dma_start3A_29, %dma_start3A_30] : memref<4x128xi32, #tpu.memory_space<vmem>> -> memref<1x128xi32, #tpu.memory_space<vmem>>
    %dma_start3A_32 = tpu.memref_squeeze %dma_start3A_31 : memref<1x128xi32, #tpu.memory_space<vmem>> -> memref<128xi32, #tpu.memory_space<vmem>>
    %dma_start3A_33 = tpu.memref_slice %arg5[%mul3A_2] : memref<4096xi32, #tpu.memory_space<hbm>> -> memref<128xi32, #tpu.memory_space<hbm>>
    %dma_start3A_34 = arith.constant 0 : i32
    %dma_start3A_35 = tpu.memref_slice %arg16[%dma_start3A_29, %dma_start3A_34] : memref<4x128xi32, #tpu.memory_space<vmem>> -> memref<1x128xi32, #tpu.memory_space<vmem>>
    %dma_start3A_36 = tpu.memref_squeeze %dma_start3A_35 : memref<1x128xi32, #tpu.memory_space<vmem>> -> memref<128xi32, #tpu.memory_space<vmem>>
    %dma_start3A_37 = tpu.memref_slice %arg5[%mul3A_2] : memref<4096xi32, #tpu.memory_space<hbm>> -> memref<128xi32, #tpu.memory_space<hbm>>
    tpu.enqueue_dma source(%dma_start3A_37 : memref<128xi32, #tpu.memory_space<hbm>>) target(%dma_start3A_36 : memref<128xi32, #tpu.memory_space<vmem>>) target_semaphore(%arg27 : memref<!tpu.dma_semaphore, #tpu.memory_space<semaphore_mem>>)
    tpu.enqueue_dma source(%arg7 : memref<10xf32, #tpu.memory_space<hbm>>) target(%arg22 : memref<10xf32, #tpu.memory_space<vmem>>) target_semaphore(%arg28 : memref<!tpu.dma_semaphore, #tpu.memory_space<semaphore_mem>>)
    tpu.enqueue_dma source(%arg9 : memref<1000xf32, #tpu.memory_space<hbm>>) target(%arg23 : memref<1000xf32, #tpu.memory_space<vmem>>) target_semaphore(%arg28 : memref<!tpu.dma_semaphore, #tpu.memory_space<semaphore_mem>>)
    tpu.enqueue_dma source(%arg11 : memref<10x128xf32, #tpu.memory_space<hbm>>) target(%arg24 : memref<10x128xf32, #tpu.memory_space<vmem>>) target_semaphore(%arg28 : memref<!tpu.dma_semaphore, #tpu.memory_space<semaphore_mem>>)
    %dma_start3A_38 = arith.constant 0 : i32
    %dma_start3A_39 = tpu.memref_slice %arg26[%dma_start3A_38] : memref<16xf32, #tpu.memory_space<vmem>> -> memref<1xf32, #tpu.memory_space<vmem>>
    %dma_start3A_40 = arith.constant 0 : i32
    %dma_start3A_41 = tpu.memref_slice %arg26[%dma_start3A_40] : memref<16xf32, #tpu.memory_space<vmem>> -> memref<1xf32, #tpu.memory_space<vmem>>
    tpu.enqueue_dma source(%arg14 : memref<1xf32, #tpu.memory_space<hbm>>) target(%dma_start3A_41 : memref<1xf32, #tpu.memory_space<vmem>>) target_semaphore(%arg28 : memref<!tpu.dma_semaphore, #tpu.memory_space<semaphore_mem>>)
    %dma_wait3A = arith.constant 0 : i32
    %dma_wait3A_42 = arith.constant 0 : i32
    %dma_wait3A_43 = tpu.memref_slice %arg16[%dma_wait3A, %dma_wait3A_42] : memref<4x128xi32, #tpu.memory_space<vmem>> -> memref<1x128xi32, #tpu.memory_space<vmem>>
    %dma_wait3A_44 = tpu.memref_squeeze %dma_wait3A_43 : memref<1x128xi32, #tpu.memory_space<vmem>> -> memref<128xi32, #tpu.memory_space<vmem>>
    %dma_wait3A_45 = tpu.memref_slice %arg2[%mul3A_2] : memref<4096xi32, #tpu.memory_space<hbm>> -> memref<128xi32, #tpu.memory_space<hbm>>
    %dma_wait3A_46 = arith.constant 0 : i32
    %dma_wait3A_47 = tpu.memref_slice %arg16[%dma_wait3A, %dma_wait3A_46] : memref<4x128xi32, #tpu.memory_space<vmem>> -> memref<1x128xi32, #tpu.memory_space<vmem>>
    %dma_wait3A_48 = tpu.memref_squeeze %dma_wait3A_47 : memref<1x128xi32, #tpu.memory_space<vmem>> -> memref<128xi32, #tpu.memory_space<vmem>>
    %dma_wait3A_49 = tpu.memref_slice %arg2[%mul3A_2] : memref<4096xi32, #tpu.memory_space<hbm>> -> memref<128xi32, #tpu.memory_space<hbm>>
    tpu.wait_dma2 semaphore(%arg27 : memref<!tpu.dma_semaphore, #tpu.memory_space<semaphore_mem>>) src(%dma_wait3A_49 : memref<128xi32, #tpu.memory_space<hbm>>) dst(%dma_wait3A_48 : memref<128xi32, #tpu.memory_space<vmem>>)
    %dma_wait3A_50 = arith.constant 1 : i32
    %dma_wait3A_51 = arith.constant 0 : i32
    %dma_wait3A_52 = tpu.memref_slice %arg16[%dma_wait3A_50, %dma_wait3A_51] : memref<4x128xi32, #tpu.memory_space<vmem>> -> memref<1x128xi32, #tpu.memory_space<vmem>>
    %dma_wait3A_53 = tpu.memref_squeeze %dma_wait3A_52 : memref<1x128xi32, #tpu.memory_space<vmem>> -> memref<128xi32, #tpu.memory_space<vmem>>
    %dma_wait3A_54 = tpu.memref_slice %arg4[%mul3A_2] : memref<4096xi32, #tpu.memory_space<hbm>> -> memref<128xi32, #tpu.memory_space<hbm>>
    %dma_wait3A_55 = arith.constant 0 : i32
    %dma_wait3A_56 = tpu.memref_slice %arg16[%dma_wait3A_50, %dma_wait3A_55] : memref<4x128xi32, #tpu.memory_space<vmem>> -> memref<1x128xi32, #tpu.memory_space<vmem>>
    %dma_wait3A_57 = tpu.memref_squeeze %dma_wait3A_56 : memref<1x128xi32, #tpu.memory_space<vmem>> -> memref<128xi32, #tpu.memory_space<vmem>>
    %dma_wait3A_58 = tpu.memref_slice %arg4[%mul3A_2] : memref<4096xi32, #tpu.memory_space<hbm>> -> memref<128xi32, #tpu.memory_space<hbm>>
    tpu.wait_dma2 semaphore(%arg27 : memref<!tpu.dma_semaphore, #tpu.memory_space<semaphore_mem>>) src(%dma_wait3A_58 : memref<128xi32, #tpu.memory_space<hbm>>) dst(%dma_wait3A_57 : memref<128xi32, #tpu.memory_space<vmem>>)
    %dma_wait3A_59 = arith.constant 2 : i32
    %dma_wait3A_60 = arith.constant 0 : i32
    %dma_wait3A_61 = tpu.memref_slice %arg16[%dma_wait3A_59, %dma_wait3A_60] : memref<4x128xi32, #tpu.memory_space<vmem>> -> memref<1x128xi32, #tpu.memory_space<vmem>>
    %dma_wait3A_62 = tpu.memref_squeeze %dma_wait3A_61 : memref<1x128xi32, #tpu.memory_space<vmem>> -> memref<128xi32, #tpu.memory_space<vmem>>
    %dma_wait3A_63 = tpu.memref_slice %arg3[%mul3A_2] : memref<4096xi32, #tpu.memory_space<hbm>> -> memref<128xi32, #tpu.memory_space<hbm>>
    %dma_wait3A_64 = arith.constant 0 : i32
    %dma_wait3A_65 = tpu.memref_slice %arg16[%dma_wait3A_59, %dma_wait3A_64] : memref<4x128xi32, #tpu.memory_space<vmem>> -> memref<1x128xi32, #tpu.memory_space<vmem>>
    %dma_wait3A_66 = tpu.memref_squeeze %dma_wait3A_65 : memref<1x128xi32, #tpu.memory_space<vmem>> -> memref<128xi32, #tpu.memory_space<vmem>>
    %dma_wait3A_67 = tpu.memref_slice %arg3[%mul3A_2] : memref<4096xi32, #tpu.memory_space<hbm>> -> memref<128xi32, #tpu.memory_space<hbm>>
    tpu.wait_dma2 semaphore(%arg27 : memref<!tpu.dma_semaphore, #tpu.memory_space<semaphore_mem>>) src(%dma_wait3A_67 : memref<128xi32, #tpu.memory_space<hbm>>) dst(%dma_wait3A_66 : memref<128xi32, #tpu.memory_space<vmem>>)
    %dma_wait3A_68 = arith.constant 3 : i32
    %dma_wait3A_69 = arith.constant 0 : i32
    %dma_wait3A_70 = tpu.memref_slice %arg16[%dma_wait3A_68, %dma_wait3A_69] : memref<4x128xi32, #tpu.memory_space<vmem>> -> memref<1x128xi32, #tpu.memory_space<vmem>>
    %dma_wait3A_71 = tpu.memref_squeeze %dma_wait3A_70 : memref<1x128xi32, #tpu.memory_space<vmem>> -> memref<128xi32, #tpu.memory_space<vmem>>
    %dma_wait3A_72 = tpu.memref_slice %arg5[%mul3A_2] : memref<4096xi32, #tpu.memory_space<hbm>> -> memref<128xi32, #tpu.memory_space<hbm>>
    %dma_wait3A_73 = arith.constant 0 : i32
    %dma_wait3A_74 = tpu.memref_slice %arg16[%dma_wait3A_68, %dma_wait3A_73] : memref<4x128xi32, #tpu.memory_space<vmem>> -> memref<1x128xi32, #tpu.memory_space<vmem>>
    %dma_wait3A_75 = tpu.memref_squeeze %dma_wait3A_74 : memref<1x128xi32, #tpu.memory_space<vmem>> -> memref<128xi32, #tpu.memory_space<vmem>>
    %dma_wait3A_76 = tpu.memref_slice %arg5[%mul3A_2] : memref<4096xi32, #tpu.memory_space<hbm>> -> memref<128xi32, #tpu.memory_space<hbm>>
    tpu.wait_dma2 semaphore(%arg27 : memref<!tpu.dma_semaphore, #tpu.memory_space<semaphore_mem>>) src(%dma_wait3A_76 : memref<128xi32, #tpu.memory_space<hbm>>) dst(%dma_wait3A_75 : memref<128xi32, #tpu.memory_space<vmem>>)
    %dma_start3A_77 = arith.constant 0 : i32
    %dma_start3A_78 = arith.constant 0 : i32
    %dma_start3A_79 = tpu.memref_slice %arg16[%dma_start3A_77, %dma_start3A_78] : memref<4x128xi32, #tpu.memory_space<vmem>> -> memref<1x128xi32, #tpu.memory_space<vmem>>
    %dma_start3A_80 = tpu.memref_squeeze %dma_start3A_79 : memref<1x128xi32, #tpu.memory_space<vmem>> -> memref<128xi32, #tpu.memory_space<vmem>>
    %dma_start3A_81 = arith.constant 0 : i32
    %dma_start3A_82 = arith.constant 0 : i32
    %dma_start3A_83 = tpu.memref_slice %arg10[%dma_start3A_81, %dma_start3A_82] : memref<100000x128xf32, #tpu.memory_space<hbm>> -> memref<100000x128xf32, #tpu.memory_space<hbm>>
    tpu.enqueue_indirect_dma source(%dma_start3A_83 : memref<100000x128xf32, #tpu.memory_space<hbm>>) target(%arg17 : memref<128x128xf32, #tpu.memory_space<vmem>>) offsets(%dma_start3A_80 : memref<128xi32, #tpu.memory_space<vmem>>) semaphore(%arg29 : memref<!tpu.dma_semaphore, #tpu.memory_space<semaphore_mem>>)
    %dma_start3A_84 = arith.constant 1 : i32
    %dma_start3A_85 = arith.constant 0 : i32
    %dma_start3A_86 = tpu.memref_slice %arg16[%dma_start3A_84, %dma_start3A_85] : memref<4x128xi32, #tpu.memory_space<vmem>> -> memref<1x128xi32, #tpu.memory_space<vmem>>
    %dma_start3A_87 = tpu.memref_squeeze %dma_start3A_86 : memref<1x128xi32, #tpu.memory_space<vmem>> -> memref<128xi32, #tpu.memory_space<vmem>>
    %dma_start3A_88 = arith.constant 0 : i32
    %dma_start3A_89 = arith.constant 0 : i32
    %dma_start3A_90 = tpu.memref_slice %arg12[%dma_start3A_88, %dma_start3A_89] : memref<100000x128xf32, #tpu.memory_space<hbm>> -> memref<100000x128xf32, #tpu.memory_space<hbm>>
    tpu.enqueue_indirect_dma source(%dma_start3A_90 : memref<100000x128xf32, #tpu.memory_space<hbm>>) target(%arg18 : memref<128x128xf32, #tpu.memory_space<vmem>>) offsets(%dma_start3A_87 : memref<128xi32, #tpu.memory_space<vmem>>) semaphore(%arg29 : memref<!tpu.dma_semaphore, #tpu.memory_space<semaphore_mem>>)
    %dma_start3A_91 = arith.constant 3 : i32
    %dma_start3A_92 = arith.constant 0 : i32
    %dma_start3A_93 = tpu.memref_slice %arg16[%dma_start3A_91, %dma_start3A_92] : memref<4x128xi32, #tpu.memory_space<vmem>> -> memref<1x128xi32, #tpu.memory_space<vmem>>
    %dma_start3A_94 = tpu.memref_squeeze %dma_start3A_93 : memref<1x128xi32, #tpu.memory_space<vmem>> -> memref<128xi32, #tpu.memory_space<vmem>>
    %dma_start3A_95 = arith.constant 0 : i32
    %dma_start3A_96 = arith.constant 0 : i32
    %dma_start3A_97 = tpu.memref_slice %arg13[%dma_start3A_95, %dma_start3A_96] : memref<1000x128xf32, #tpu.memory_space<hbm>> -> memref<1000x128xf32, #tpu.memory_space<hbm>>
    tpu.enqueue_indirect_dma source(%dma_start3A_97 : memref<1000x128xf32, #tpu.memory_space<hbm>>) target(%arg19 : memref<128x128xf32, #tpu.memory_space<vmem>>) offsets(%dma_start3A_94 : memref<128xi32, #tpu.memory_space<vmem>>) semaphore(%arg29 : memref<!tpu.dma_semaphore, #tpu.memory_space<semaphore_mem>>)
    %dma_start3A_98 = arith.constant 0 : i32
    %dma_start3A_99 = arith.constant 0 : i32
    %dma_start3A_100 = tpu.memref_slice %arg16[%dma_start3A_98, %dma_start3A_99] : memref<4x128xi32, #tpu.memory_space<vmem>> -> memref<1x128xi32, #tpu.memory_space<vmem>>
    %dma_start3A_101 = tpu.memref_squeeze %dma_start3A_100 : memref<1x128xi32, #tpu.memory_space<vmem>> -> memref<128xi32, #tpu.memory_space<vmem>>
    %dma_start3A_102 = arith.constant 0 : i32
    %dma_start3A_103 = tpu.memref_slice %arg6[%dma_start3A_102] : memref<100000xf32, #tpu.memory_space<hbm>> -> memref<100000xf32, #tpu.memory_space<hbm>>
    tpu.enqueue_indirect_dma source(%dma_start3A_103 : memref<100000xf32, #tpu.memory_space<hbm>>) target(%arg20 : memref<128xf32, #tpu.memory_space<vmem>>) offsets(%dma_start3A_101 : memref<128xi32, #tpu.memory_space<vmem>>) semaphore(%arg30 : memref<!tpu.dma_semaphore, #tpu.memory_space<semaphore_mem>>)
    %dma_start3A_104 = arith.constant 1 : i32
    %dma_start3A_105 = arith.constant 0 : i32
    %dma_start3A_106 = tpu.memref_slice %arg16[%dma_start3A_104, %dma_start3A_105] : memref<4x128xi32, #tpu.memory_space<vmem>> -> memref<1x128xi32, #tpu.memory_space<vmem>>
    %dma_start3A_107 = tpu.memref_squeeze %dma_start3A_106 : memref<1x128xi32, #tpu.memory_space<vmem>> -> memref<128xi32, #tpu.memory_space<vmem>>
    %dma_start3A_108 = arith.constant 0 : i32
    %dma_start3A_109 = tpu.memref_slice %arg8[%dma_start3A_108] : memref<100000xf32, #tpu.memory_space<hbm>> -> memref<100000xf32, #tpu.memory_space<hbm>>
    tpu.enqueue_indirect_dma source(%dma_start3A_109 : memref<100000xf32, #tpu.memory_space<hbm>>) target(%arg21 : memref<128xf32, #tpu.memory_space<vmem>>) offsets(%dma_start3A_107 : memref<128xi32, #tpu.memory_space<vmem>>) semaphore(%arg30 : memref<!tpu.dma_semaphore, #tpu.memory_space<semaphore_mem>>)
    %dma_wait3A_110 = arith.constant 0 : i32
    %dma_wait3A_111 = arith.constant 0 : i32
    %dma_wait3A_112 = tpu.memref_slice %arg16[%dma_wait3A_110, %dma_wait3A_111] : memref<4x128xi32, #tpu.memory_space<vmem>> -> memref<1x128xi32, #tpu.memory_space<vmem>>
    %dma_wait3A_113 = tpu.memref_squeeze %dma_wait3A_112 : memref<1x128xi32, #tpu.memory_space<vmem>> -> memref<128xi32, #tpu.memory_space<vmem>>
    %dma_wait3A_114 = arith.constant 0 : i32
    %dma_wait3A_115 = arith.constant 0 : i32
    %dma_wait3A_116 = tpu.memref_slice %arg10[%dma_wait3A_114, %dma_wait3A_115] : memref<100000x128xf32, #tpu.memory_space<hbm>> -> memref<100000x128xf32, #tpu.memory_space<hbm>>
    tpu.wait_indirect_dma semaphore(%arg29 : memref<!tpu.dma_semaphore, #tpu.memory_space<semaphore_mem>>) src(%dma_wait3A_116 : memref<100000x128xf32, #tpu.memory_space<hbm>>) dst(%arg17 : memref<128x128xf32, #tpu.memory_space<vmem>>)
    %dma_wait3A_117 = arith.constant 1 : i32
    %dma_wait3A_118 = arith.constant 0 : i32
    %dma_wait3A_119 = tpu.memref_slice %arg16[%dma_wait3A_117, %dma_wait3A_118] : memref<4x128xi32, #tpu.memory_space<vmem>> -> memref<1x128xi32, #tpu.memory_space<vmem>>
    %dma_wait3A_120 = tpu.memref_squeeze %dma_wait3A_119 : memref<1x128xi32, #tpu.memory_space<vmem>> -> memref<128xi32, #tpu.memory_space<vmem>>
    %dma_wait3A_121 = arith.constant 0 : i32
    %dma_wait3A_122 = arith.constant 0 : i32
    %dma_wait3A_123 = tpu.memref_slice %arg12[%dma_wait3A_121, %dma_wait3A_122] : memref<100000x128xf32, #tpu.memory_space<hbm>> -> memref<100000x128xf32, #tpu.memory_space<hbm>>
    tpu.wait_indirect_dma semaphore(%arg29 : memref<!tpu.dma_semaphore, #tpu.memory_space<semaphore_mem>>) src(%dma_wait3A_123 : memref<100000x128xf32, #tpu.memory_space<hbm>>) dst(%arg18 : memref<128x128xf32, #tpu.memory_space<vmem>>)
    %dma_wait3A_124 = arith.constant 3 : i32
    %dma_wait3A_125 = arith.constant 0 : i32
    %dma_wait3A_126 = tpu.memref_slice %arg16[%dma_wait3A_124, %dma_wait3A_125] : memref<4x128xi32, #tpu.memory_space<vmem>> -> memref<1x128xi32, #tpu.memory_space<vmem>>
    %dma_wait3A_127 = tpu.memref_squeeze %dma_wait3A_126 : memref<1x128xi32, #tpu.memory_space<vmem>> -> memref<128xi32, #tpu.memory_space<vmem>>
    %dma_wait3A_128 = arith.constant 0 : i32
    %dma_wait3A_129 = arith.constant 0 : i32
    %dma_wait3A_130 = tpu.memref_slice %arg13[%dma_wait3A_128, %dma_wait3A_129] : memref<1000x128xf32, #tpu.memory_space<hbm>> -> memref<1000x128xf32, #tpu.memory_space<hbm>>
    tpu.wait_indirect_dma semaphore(%arg29 : memref<!tpu.dma_semaphore, #tpu.memory_space<semaphore_mem>>) src(%dma_wait3A_130 : memref<1000x128xf32, #tpu.memory_space<hbm>>) dst(%arg19 : memref<128x128xf32, #tpu.memory_space<vmem>>)
    tpu.wait_dma2 semaphore(%arg28 : memref<!tpu.dma_semaphore, #tpu.memory_space<semaphore_mem>>) src(%arg7 : memref<10xf32, #tpu.memory_space<hbm>>) dst(%arg22 : memref<10xf32, #tpu.memory_space<vmem>>)
    tpu.wait_dma2 semaphore(%arg28 : memref<!tpu.dma_semaphore, #tpu.memory_space<semaphore_mem>>) src(%arg9 : memref<1000xf32, #tpu.memory_space<hbm>>) dst(%arg23 : memref<1000xf32, #tpu.memory_space<vmem>>)
    tpu.wait_dma2 semaphore(%arg28 : memref<!tpu.dma_semaphore, #tpu.memory_space<semaphore_mem>>) src(%arg11 : memref<10x128xf32, #tpu.memory_space<hbm>>) dst(%arg24 : memref<10x128xf32, #tpu.memory_space<vmem>>)
    %dma_wait3A_131 = arith.constant 0 : i32
    %dma_wait3A_132 = tpu.memref_slice %arg26[%dma_wait3A_131] : memref<16xf32, #tpu.memory_space<vmem>> -> memref<1xf32, #tpu.memory_space<vmem>>
    %dma_wait3A_133 = arith.constant 0 : i32
    %dma_wait3A_134 = tpu.memref_slice %arg26[%dma_wait3A_133] : memref<16xf32, #tpu.memory_space<vmem>> -> memref<1xf32, #tpu.memory_space<vmem>>
    tpu.wait_dma2 semaphore(%arg28 : memref<!tpu.dma_semaphore, #tpu.memory_space<semaphore_mem>>) src(%arg14 : memref<1xf32, #tpu.memory_space<hbm>>) dst(%dma_wait3A_134 : memref<1xf32, #tpu.memory_space<vmem>>)
    %iota3A = tpu.iota {dimensions = array<i32: 0>} : vector<16xi32>
    %eq3A = arith.constant 15 : i32
    %eq3A_135 = vector.broadcast %eq3A : i32 to vector<16xi32>
    %eq3A_136 = arith.cmpi eq, %iota3A, %eq3A_135 : vector<16xi32>
    %broadcast_in_dim3A = arith.constant 2 : i32
    %broadcast_in_dim3A_137 = vector.broadcast %broadcast_in_dim3A : i32 to vector<16xi32>
    %scan3A = arith.constant 0 : i32
    %scan3A_138 = arith.constant 0 : i32
    %scan3A_139 = arith.constant 128 : i32
    %scan3A_140 = arith.addi %scan3A_138, %scan3A_139 : i32
    %scan3A_141 = arith.constant 4 : i32
    scf.for %scan3A_346 = %scan3A_138 to %scan3A_140 step %scan3A_141  : i32 {
      %broadcast_in_dim3A_347 = vector.broadcast %scan3A_346 : i32 to vector<16xi32>
      %gather3A_348 = tpu.vector_load_idx %arg16[%broadcast_in_dim3A_137, %broadcast_in_dim3A_347] : memref<4x128xi32, #tpu.memory_space<vmem>>[vector<16xi32>, vector<16xi32>], vector<16xi32>,
      %broadcast_in_dim3A_349 = arith.constant 0.000000e+00 : f32
      %broadcast_in_dim3A_350 = vector.broadcast %broadcast_in_dim3A_349 : f32 to vector<16xf32>
      %add3A_351 = arith.constant 0 : i32
      %add3A_352 = vector.broadcast %add3A_351 : i32 to vector<16xi32>
      %add3A_353 = arith.addi %iota3A, %add3A_352 : vector<16xi32>
      %gather3A_354 = tpu.vector_load_idx %arg24[%gather3A_348, %add3A_353] : memref<10x128xf32, #tpu.memory_space<vmem>>[vector<16xi32>, vector<16xi32>], vector<16xf32>,
      %get3A_355 = arith.index_cast %scan3A_346 : i32 to index
      %get3A_356 = arith.constant 0 : index
      %get3A_357 = tpu.vector_load %arg17[%get3A_355, %get3A_356] {strides = array<i32>} : memref<128x128xf32, #tpu.memory_space<vmem>>, vector<16xf32>,
      %add3A_358 = arith.addf %get3A_357, %gather3A_354 : vector<16xf32>
      %get3A_359 = arith.index_cast %scan3A_346 : i32 to index
      %get3A_360 = arith.constant 0 : index
      %get3A_361 = tpu.vector_load %arg18[%get3A_359, %get3A_360] {strides = array<i32>} : memref<128x128xf32, #tpu.memory_space<vmem>>, vector<16xf32>,
      %get3A_362 = arith.index_cast %scan3A_346 : i32 to index
      %get3A_363 = arith.constant 0 : index
      %get3A_364 = tpu.vector_load %arg19[%get3A_362, %get3A_363] {strides = array<i32>} : memref<128x128xf32, #tpu.memory_space<vmem>>, vector<16xf32>,
      %add3A_365 = arith.addf %get3A_361, %get3A_364 : vector<16xf32>
      %mul3A_366 = arith.mulf %add3A_358, %add3A_365 : vector<16xf32>
      %add3A_367 = arith.addf %broadcast_in_dim3A_350, %mul3A_366 : vector<16xf32>
      %add3A_368 = arith.constant 16 : i32
      %add3A_369 = vector.broadcast %add3A_368 : i32 to vector<16xi32>
      %add3A_370 = arith.addi %iota3A, %add3A_369 : vector<16xi32>
      %gather3A_371 = tpu.vector_load_idx %arg24[%gather3A_348, %add3A_370] : memref<10x128xf32, #tpu.memory_space<vmem>>[vector<16xi32>, vector<16xi32>], vector<16xf32>,
      %get3A_372 = arith.index_cast %scan3A_346 : i32 to index
      %get3A_373 = arith.constant 16 : index
      %get3A_374 = tpu.vector_load %arg17[%get3A_372, %get3A_373] {strides = array<i32>} : memref<128x128xf32, #tpu.memory_space<vmem>>, vector<16xf32>,
      %add3A_375 = arith.addf %get3A_374, %gather3A_371 : vector<16xf32>
      %get3A_376 = arith.index_cast %scan3A_346 : i32 to index
      %get3A_377 = arith.constant 16 : index
      %get3A_378 = tpu.vector_load %arg18[%get3A_376, %get3A_377] {strides = array<i32>} : memref<128x128xf32, #tpu.memory_space<vmem>>, vector<16xf32>,
      %get3A_379 = arith.index_cast %scan3A_346 : i32 to index
      %get3A_380 = arith.constant 16 : index
      %get3A_381 = tpu.vector_load %arg19[%get3A_379, %get3A_380] {strides = array<i32>} : memref<128x128xf32, #tpu.memory_space<vmem>>, vector<16xf32>,
      %add3A_382 = arith.addf %get3A_378, %get3A_381 : vector<16xf32>
      %mul3A_383 = arith.mulf %add3A_375, %add3A_382 : vector<16xf32>
      %add3A_384 = arith.addf %add3A_367, %mul3A_383 : vector<16xf32>
      %add3A_385 = arith.constant 32 : i32
      %add3A_386 = vector.broadcast %add3A_385 : i32 to vector<16xi32>
      %add3A_387 = arith.addi %iota3A, %add3A_386 : vector<16xi32>
      %gather3A_388 = tpu.vector_load_idx %arg24[%gather3A_348, %add3A_387] : memref<10x128xf32, #tpu.memory_space<vmem>>[vector<16xi32>, vector<16xi32>], vector<16xf32>,
      %get3A_389 = arith.index_cast %scan3A_346 : i32 to index
      %get3A_390 = arith.constant 32 : index
      %get3A_391 = tpu.vector_load %arg17[%get3A_389, %get3A_390] {strides = array<i32>} : memref<128x128xf32, #tpu.memory_space<vmem>>, vector<16xf32>,
      %add3A_392 = arith.addf %get3A_391, %gather3A_388 : vector<16xf32>
      %get3A_393 = arith.index_cast %scan3A_346 : i32 to index
      %get3A_394 = arith.constant 32 : index
      %get3A_395 = tpu.vector_load %arg18[%get3A_393, %get3A_394] {strides = array<i32>} : memref<128x128xf32, #tpu.memory_space<vmem>>, vector<16xf32>,
      %get3A_396 = arith.index_cast %scan3A_346 : i32 to index
      %get3A_397 = arith.constant 32 : index
      %get3A_398 = tpu.vector_load %arg19[%get3A_396, %get3A_397] {strides = array<i32>} : memref<128x128xf32, #tpu.memory_space<vmem>>, vector<16xf32>,
      %add3A_399 = arith.addf %get3A_395, %get3A_398 : vector<16xf32>
      %mul3A_400 = arith.mulf %add3A_392, %add3A_399 : vector<16xf32>
      %add3A_401 = arith.addf %add3A_384, %mul3A_400 : vector<16xf32>
      %add3A_402 = arith.constant 48 : i32
      %add3A_403 = vector.broadcast %add3A_402 : i32 to vector<16xi32>
      %add3A_404 = arith.addi %iota3A, %add3A_403 : vector<16xi32>
      %gather3A_405 = tpu.vector_load_idx %arg24[%gather3A_348, %add3A_404] : memref<10x128xf32, #tpu.memory_space<vmem>>[vector<16xi32>, vector<16xi32>], vector<16xf32>,
      %get3A_406 = arith.index_cast %scan3A_346 : i32 to index
      %get3A_407 = arith.constant 48 : index
      %get3A_408 = tpu.vector_load %arg17[%get3A_406, %get3A_407] {strides = array<i32>} : memref<128x128xf32, #tpu.memory_space<vmem>>, vector<16xf32>,
      %add3A_409 = arith.addf %get3A_408, %gather3A_405 : vector<16xf32>
      %get3A_410 = arith.index_cast %scan3A_346 : i32 to index
      %get3A_411 = arith.constant 48 : index
      %get3A_412 = tpu.vector_load %arg18[%get3A_410, %get3A_411] {strides = array<i32>} : memref<128x128xf32, #tpu.memory_space<vmem>>, vector<16xf32>,
      %get3A_413 = arith.index_cast %scan3A_346 : i32 to index
      %get3A_414 = arith.constant 48 : index
      %get3A_415 = tpu.vector_load %arg19[%get3A_413, %get3A_414] {strides = array<i32>} : memref<128x128xf32, #tpu.memory_space<vmem>>, vector<16xf32>,
      %add3A_416 = arith.addf %get3A_412, %get3A_415 : vector<16xf32>
      %mul3A_417 = arith.mulf %add3A_409, %add3A_416 : vector<16xf32>
      %add3A_418 = arith.addf %add3A_401, %mul3A_417 : vector<16xf32>
      %add3A_419 = arith.constant 64 : i32
      %add3A_420 = vector.broadcast %add3A_419 : i32 to vector<16xi32>
      %add3A_421 = arith.addi %iota3A, %add3A_420 : vector<16xi32>
      %gather3A_422 = tpu.vector_load_idx %arg24[%gather3A_348, %add3A_421] : memref<10x128xf32, #tpu.memory_space<vmem>>[vector<16xi32>, vector<16xi32>], vector<16xf32>,
      %get3A_423 = arith.index_cast %scan3A_346 : i32 to index
      %get3A_424 = arith.constant 64 : index
      %get3A_425 = tpu.vector_load %arg17[%get3A_423, %get3A_424] {strides = array<i32>} : memref<128x128xf32, #tpu.memory_space<vmem>>, vector<16xf32>,
      %add3A_426 = arith.addf %get3A_425, %gather3A_422 : vector<16xf32>
      %get3A_427 = arith.index_cast %scan3A_346 : i32 to index
      %get3A_428 = arith.constant 64 : index
      %get3A_429 = tpu.vector_load %arg18[%get3A_427, %get3A_428] {strides = array<i32>} : memref<128x128xf32, #tpu.memory_space<vmem>>, vector<16xf32>,
      %get3A_430 = arith.index_cast %scan3A_346 : i32 to index
      %get3A_431 = arith.constant 64 : index
      %get3A_432 = tpu.vector_load %arg19[%get3A_430, %get3A_431] {strides = array<i32>} : memref<128x128xf32, #tpu.memory_space<vmem>>, vector<16xf32>,
      %add3A_433 = arith.addf %get3A_429, %get3A_432 : vector<16xf32>
      %mul3A_434 = arith.mulf %add3A_426, %add3A_433 : vector<16xf32>
      %add3A_435 = arith.addf %add3A_418, %mul3A_434 : vector<16xf32>
      %add3A_436 = arith.constant 80 : i32
      %add3A_437 = vector.broadcast %add3A_436 : i32 to vector<16xi32>
      %add3A_438 = arith.addi %iota3A, %add3A_437 : vector<16xi32>
      %gather3A_439 = tpu.vector_load_idx %arg24[%gather3A_348, %add3A_438] : memref<10x128xf32, #tpu.memory_space<vmem>>[vector<16xi32>, vector<16xi32>], vector<16xf32>,
      %get3A_440 = arith.index_cast %scan3A_346 : i32 to index
      %get3A_441 = arith.constant 80 : index
      %get3A_442 = tpu.vector_load %arg17[%get3A_440, %get3A_441] {strides = array<i32>} : memref<128x128xf32, #tpu.memory_space<vmem>>, vector<16xf32>,
      %add3A_443 = arith.addf %get3A_442, %gather3A_439 : vector<16xf32>
      %get3A_444 = arith.index_cast %scan3A_346 : i32 to index
      %get3A_445 = arith.constant 80 : index
      %get3A_446 = tpu.vector_load %arg18[%get3A_444, %get3A_445] {strides = array<i32>} : memref<128x128xf32, #tpu.memory_space<vmem>>, vector<16xf32>,
      %get3A_447 = arith.index_cast %scan3A_346 : i32 to index
      %get3A_448 = arith.constant 80 : index
      %get3A_449 = tpu.vector_load %arg19[%get3A_447, %get3A_448] {strides = array<i32>} : memref<128x128xf32, #tpu.memory_space<vmem>>, vector<16xf32>,
      %add3A_450 = arith.addf %get3A_446, %get3A_449 : vector<16xf32>
      %mul3A_451 = arith.mulf %add3A_443, %add3A_450 : vector<16xf32>
      %add3A_452 = arith.addf %add3A_435, %mul3A_451 : vector<16xf32>
      %add3A_453 = arith.constant 96 : i32
      %add3A_454 = vector.broadcast %add3A_453 : i32 to vector<16xi32>
      %add3A_455 = arith.addi %iota3A, %add3A_454 : vector<16xi32>
      %gather3A_456 = tpu.vector_load_idx %arg24[%gather3A_348, %add3A_455] : memref<10x128xf32, #tpu.memory_space<vmem>>[vector<16xi32>, vector<16xi32>], vector<16xf32>,
      %get3A_457 = arith.index_cast %scan3A_346 : i32 to index
      %get3A_458 = arith.constant 96 : index
      %get3A_459 = tpu.vector_load %arg17[%get3A_457, %get3A_458] {strides = array<i32>} : memref<128x128xf32, #tpu.memory_space<vmem>>, vector<16xf32>,
      %add3A_460 = arith.addf %get3A_459, %gather3A_456 : vector<16xf32>
      %get3A_461 = arith.index_cast %scan3A_346 : i32 to index
      %get3A_462 = arith.constant 96 : index
      %get3A_463 = tpu.vector_load %arg18[%get3A_461, %get3A_462] {strides = array<i32>} : memref<128x128xf32, #tpu.memory_space<vmem>>, vector<16xf32>,
      %get3A_464 = arith.index_cast %scan3A_346 : i32 to index
      %get3A_465 = arith.constant 96 : index
      %get3A_466 = tpu.vector_load %arg19[%get3A_464, %get3A_465] {strides = array<i32>} : memref<128x128xf32, #tpu.memory_space<vmem>>, vector<16xf32>,
      %add3A_467 = arith.addf %get3A_463, %get3A_466 : vector<16xf32>
      %mul3A_468 = arith.mulf %add3A_460, %add3A_467 : vector<16xf32>
      %add3A_469 = arith.addf %add3A_452, %mul3A_468 : vector<16xf32>
      %add3A_470 = arith.constant 112 : i32
      %add3A_471 = vector.broadcast %add3A_470 : i32 to vector<16xi32>
      %add3A_472 = arith.addi %iota3A, %add3A_471 : vector<16xi32>
      %gather3A_473 = tpu.vector_load_idx %arg24[%gather3A_348, %add3A_472] : memref<10x128xf32, #tpu.memory_space<vmem>>[vector<16xi32>, vector<16xi32>], vector<16xf32>,
      %get3A_474 = arith.index_cast %scan3A_346 : i32 to index
      %get3A_475 = arith.constant 112 : index
      %get3A_476 = tpu.vector_load %arg17[%get3A_474, %get3A_475] {strides = array<i32>} : memref<128x128xf32, #tpu.memory_space<vmem>>, vector<16xf32>,
      %add3A_477 = arith.addf %get3A_476, %gather3A_473 : vector<16xf32>
      %get3A_478 = arith.index_cast %scan3A_346 : i32 to index
      %get3A_479 = arith.constant 112 : index
      %get3A_480 = tpu.vector_load %arg18[%get3A_478, %get3A_479] {strides = array<i32>} : memref<128x128xf32, #tpu.memory_space<vmem>>, vector<16xf32>,
      %get3A_481 = arith.index_cast %scan3A_346 : i32 to index
      %get3A_482 = arith.constant 112 : index
      %get3A_483 = tpu.vector_load %arg19[%get3A_481, %get3A_482] {strides = array<i32>} : memref<128x128xf32, #tpu.memory_space<vmem>>, vector<16xf32>,
      %add3A_484 = arith.addf %get3A_480, %get3A_483 : vector<16xf32>
      %mul3A_485 = arith.mulf %add3A_477, %add3A_484 : vector<16xf32>
      %add3A_486 = arith.addf %add3A_469, %mul3A_485 : vector<16xf32>
      %broadcast_in_dim3A_487 = arith.constant true
      %broadcast_in_dim3A_488 = vector.broadcast %broadcast_in_dim3A_487 : i1 to vector<16xi1>
      %masked_cumsum3A = tpu.scan <sum>, %add3A_486 masked %broadcast_in_dim3A_488 : vector<16xf32>, vector<16xi1> -> vector<16xf32>
      %broadcast_in_dim3A_489 = vector.broadcast %scan3A_346 : i32 to vector<16xi32>
      tpu.vector_store_idx %arg25[%broadcast_in_dim3A_489], %masked_cumsum3A masked %eq3A_136 : memref<128xf32, #tpu.memory_space<vmem>>[vector<16xi32>], vector<16xf32>, vector<16xi1>
      %scan3A_490 = arith.constant 1 : i32
      %scan3A_491 = arith.addi %scan3A_346, %scan3A_490 : i32
      %broadcast_in_dim3A_492 = vector.broadcast %scan3A_491 : i32 to vector<16xi32>
      %gather3A_493 = tpu.vector_load_idx %arg16[%broadcast_in_dim3A_137, %broadcast_in_dim3A_492] : memref<4x128xi32, #tpu.memory_space<vmem>>[vector<16xi32>, vector<16xi32>], vector<16xi32>,
      %broadcast_in_dim3A_494 = arith.constant 0.000000e+00 : f32
      %broadcast_in_dim3A_495 = vector.broadcast %broadcast_in_dim3A_494 : f32 to vector<16xf32>
      %add3A_496 = arith.constant 0 : i32
      %add3A_497 = vector.broadcast %add3A_496 : i32 to vector<16xi32>
      %add3A_498 = arith.addi %iota3A, %add3A_497 : vector<16xi32>
      %gather3A_499 = tpu.vector_load_idx %arg24[%gather3A_493, %add3A_498] : memref<10x128xf32, #tpu.memory_space<vmem>>[vector<16xi32>, vector<16xi32>], vector<16xf32>,
      %get3A_500 = arith.index_cast %scan3A_491 : i32 to index
      %get3A_501 = arith.constant 0 : index
      %get3A_502 = tpu.vector_load %arg17[%get3A_500, %get3A_501] {strides = array<i32>} : memref<128x128xf32, #tpu.memory_space<vmem>>, vector<16xf32>,
      %add3A_503 = arith.addf %get3A_502, %gather3A_499 : vector<16xf32>
      %get3A_504 = arith.index_cast %scan3A_491 : i32 to index
      %get3A_505 = arith.constant 0 : index
      %get3A_506 = tpu.vector_load %arg18[%get3A_504, %get3A_505] {strides = array<i32>} : memref<128x128xf32, #tpu.memory_space<vmem>>, vector<16xf32>,
      %get3A_507 = arith.index_cast %scan3A_491 : i32 to index
      %get3A_508 = arith.constant 0 : index
      %get3A_509 = tpu.vector_load %arg19[%get3A_507, %get3A_508] {strides = array<i32>} : memref<128x128xf32, #tpu.memory_space<vmem>>, vector<16xf32>,
      %add3A_510 = arith.addf %get3A_506, %get3A_509 : vector<16xf32>
      %mul3A_511 = arith.mulf %add3A_503, %add3A_510 : vector<16xf32>
      %add3A_512 = arith.addf %broadcast_in_dim3A_495, %mul3A_511 : vector<16xf32>
      %add3A_513 = arith.constant 16 : i32
      %add3A_514 = vector.broadcast %add3A_513 : i32 to vector<16xi32>
      %add3A_515 = arith.addi %iota3A, %add3A_514 : vector<16xi32>
      %gather3A_516 = tpu.vector_load_idx %arg24[%gather3A_493, %add3A_515] : memref<10x128xf32, #tpu.memory_space<vmem>>[vector<16xi32>, vector<16xi32>], vector<16xf32>,
      %get3A_517 = arith.index_cast %scan3A_491 : i32 to index
      %get3A_518 = arith.constant 16 : index
      %get3A_519 = tpu.vector_load %arg17[%get3A_517, %get3A_518] {strides = array<i32>} : memref<128x128xf32, #tpu.memory_space<vmem>>, vector<16xf32>,
      %add3A_520 = arith.addf %get3A_519, %gather3A_516 : vector<16xf32>
      %get3A_521 = arith.index_cast %scan3A_491 : i32 to index
      %get3A_522 = arith.constant 16 : index
      %get3A_523 = tpu.vector_load %arg18[%get3A_521, %get3A_522] {strides = array<i32>} : memref<128x128xf32, #tpu.memory_space<vmem>>, vector<16xf32>,
      %get3A_524 = arith.index_cast %scan3A_491 : i32 to index
      %get3A_525 = arith.constant 16 : index
      %get3A_526 = tpu.vector_load %arg19[%get3A_524, %get3A_525] {strides = array<i32>} : memref<128x128xf32, #tpu.memory_space<vmem>>, vector<16xf32>,
      %add3A_527 = arith.addf %get3A_523, %get3A_526 : vector<16xf32>
      %mul3A_528 = arith.mulf %add3A_520, %add3A_527 : vector<16xf32>
      %add3A_529 = arith.addf %add3A_512, %mul3A_528 : vector<16xf32>
      %add3A_530 = arith.constant 32 : i32
      %add3A_531 = vector.broadcast %add3A_530 : i32 to vector<16xi32>
      %add3A_532 = arith.addi %iota3A, %add3A_531 : vector<16xi32>
      %gather3A_533 = tpu.vector_load_idx %arg24[%gather3A_493, %add3A_532] : memref<10x128xf32, #tpu.memory_space<vmem>>[vector<16xi32>, vector<16xi32>], vector<16xf32>,
      %get3A_534 = arith.index_cast %scan3A_491 : i32 to index
      %get3A_535 = arith.constant 32 : index
      %get3A_536 = tpu.vector_load %arg17[%get3A_534, %get3A_535] {strides = array<i32>} : memref<128x128xf32, #tpu.memory_space<vmem>>, vector<16xf32>,
      %add3A_537 = arith.addf %get3A_536, %gather3A_533 : vector<16xf32>
      %get3A_538 = arith.index_cast %scan3A_491 : i32 to index
      %get3A_539 = arith.constant 32 : index
      %get3A_540 = tpu.vector_load %arg18[%get3A_538, %get3A_539] {strides = array<i32>} : memref<128x128xf32, #tpu.memory_space<vmem>>, vector<16xf32>,
      %get3A_541 = arith.index_cast %scan3A_491 : i32 to index
      %get3A_542 = arith.constant 32 : index
      %get3A_543 = tpu.vector_load %arg19[%get3A_541, %get3A_542] {strides = array<i32>} : memref<128x128xf32, #tpu.memory_space<vmem>>, vector<16xf32>,
      %add3A_544 = arith.addf %get3A_540, %get3A_543 : vector<16xf32>
      %mul3A_545 = arith.mulf %add3A_537, %add3A_544 : vector<16xf32>
      %add3A_546 = arith.addf %add3A_529, %mul3A_545 : vector<16xf32>
      %add3A_547 = arith.constant 48 : i32
      %add3A_548 = vector.broadcast %add3A_547 : i32 to vector<16xi32>
      %add3A_549 = arith.addi %iota3A, %add3A_548 : vector<16xi32>
      %gather3A_550 = tpu.vector_load_idx %arg24[%gather3A_493, %add3A_549] : memref<10x128xf32, #tpu.memory_space<vmem>>[vector<16xi32>, vector<16xi32>], vector<16xf32>,
      %get3A_551 = arith.index_cast %scan3A_491 : i32 to index
      %get3A_552 = arith.constant 48 : index
      %get3A_553 = tpu.vector_load %arg17[%get3A_551, %get3A_552] {strides = array<i32>} : memref<128x128xf32, #tpu.memory_space<vmem>>, vector<16xf32>,
      %add3A_554 = arith.addf %get3A_553, %gather3A_550 : vector<16xf32>
      %get3A_555 = arith.index_cast %scan3A_491 : i32 to index
      %get3A_556 = arith.constant 48 : index
      %get3A_557 = tpu.vector_load %arg18[%get3A_555, %get3A_556] {strides = array<i32>} : memref<128x128xf32, #tpu.memory_space<vmem>>, vector<16xf32>,
      %get3A_558 = arith.index_cast %scan3A_491 : i32 to index
      %get3A_559 = arith.constant 48 : index
      %get3A_560 = tpu.vector_load %arg19[%get3A_558, %get3A_559] {strides = array<i32>} : memref<128x128xf32, #tpu.memory_space<vmem>>, vector<16xf32>,
      %add3A_561 = arith.addf %get3A_557, %get3A_560 : vector<16xf32>
      %mul3A_562 = arith.mulf %add3A_554, %add3A_561 : vector<16xf32>
      %add3A_563 = arith.addf %add3A_546, %mul3A_562 : vector<16xf32>
      %add3A_564 = arith.constant 64 : i32
      %add3A_565 = vector.broadcast %add3A_564 : i32 to vector<16xi32>
      %add3A_566 = arith.addi %iota3A, %add3A_565 : vector<16xi32>
      %gather3A_567 = tpu.vector_load_idx %arg24[%gather3A_493, %add3A_566] : memref<10x128xf32, #tpu.memory_space<vmem>>[vector<16xi32>, vector<16xi32>], vector<16xf32>,
      %get3A_568 = arith.index_cast %scan3A_491 : i32 to index
      %get3A_569 = arith.constant 64 : index
      %get3A_570 = tpu.vector_load %arg17[%get3A_568, %get3A_569] {strides = array<i32>} : memref<128x128xf32, #tpu.memory_space<vmem>>, vector<16xf32>,
      %add3A_571 = arith.addf %get3A_570, %gather3A_567 : vector<16xf32>
      %get3A_572 = arith.index_cast %scan3A_491 : i32 to index
      %get3A_573 = arith.constant 64 : index
      %get3A_574 = tpu.vector_load %arg18[%get3A_572, %get3A_573] {strides = array<i32>} : memref<128x128xf32, #tpu.memory_space<vmem>>, vector<16xf32>,
      %get3A_575 = arith.index_cast %scan3A_491 : i32 to index
      %get3A_576 = arith.constant 64 : index
      %get3A_577 = tpu.vector_load %arg19[%get3A_575, %get3A_576] {strides = array<i32>} : memref<128x128xf32, #tpu.memory_space<vmem>>, vector<16xf32>,
      %add3A_578 = arith.addf %get3A_574, %get3A_577 : vector<16xf32>
      %mul3A_579 = arith.mulf %add3A_571, %add3A_578 : vector<16xf32>
      %add3A_580 = arith.addf %add3A_563, %mul3A_579 : vector<16xf32>
      %add3A_581 = arith.constant 80 : i32
      %add3A_582 = vector.broadcast %add3A_581 : i32 to vector<16xi32>
      %add3A_583 = arith.addi %iota3A, %add3A_582 : vector<16xi32>
      %gather3A_584 = tpu.vector_load_idx %arg24[%gather3A_493, %add3A_583] : memref<10x128xf32, #tpu.memory_space<vmem>>[vector<16xi32>, vector<16xi32>], vector<16xf32>,
      %get3A_585 = arith.index_cast %scan3A_491 : i32 to index
      %get3A_586 = arith.constant 80 : index
      %get3A_587 = tpu.vector_load %arg17[%get3A_585, %get3A_586] {strides = array<i32>} : memref<128x128xf32, #tpu.memory_space<vmem>>, vector<16xf32>,
      %add3A_588 = arith.addf %get3A_587, %gather3A_584 : vector<16xf32>
      %get3A_589 = arith.index_cast %scan3A_491 : i32 to index
      %get3A_590 = arith.constant 80 : index
      %get3A_591 = tpu.vector_load %arg18[%get3A_589, %get3A_590] {strides = array<i32>} : memref<128x128xf32, #tpu.memory_space<vmem>>, vector<16xf32>,
      %get3A_592 = arith.index_cast %scan3A_491 : i32 to index
      %get3A_593 = arith.constant 80 : index
      %get3A_594 = tpu.vector_load %arg19[%get3A_592, %get3A_593] {strides = array<i32>} : memref<128x128xf32, #tpu.memory_space<vmem>>, vector<16xf32>,
      %add3A_595 = arith.addf %get3A_591, %get3A_594 : vector<16xf32>
      %mul3A_596 = arith.mulf %add3A_588, %add3A_595 : vector<16xf32>
      %add3A_597 = arith.addf %add3A_580, %mul3A_596 : vector<16xf32>
      %add3A_598 = arith.constant 96 : i32
      %add3A_599 = vector.broadcast %add3A_598 : i32 to vector<16xi32>
      %add3A_600 = arith.addi %iota3A, %add3A_599 : vector<16xi32>
      %gather3A_601 = tpu.vector_load_idx %arg24[%gather3A_493, %add3A_600] : memref<10x128xf32, #tpu.memory_space<vmem>>[vector<16xi32>, vector<16xi32>], vector<16xf32>,
      %get3A_602 = arith.index_cast %scan3A_491 : i32 to index
      %get3A_603 = arith.constant 96 : index
      %get3A_604 = tpu.vector_load %arg17[%get3A_602, %get3A_603] {strides = array<i32>} : memref<128x128xf32, #tpu.memory_space<vmem>>, vector<16xf32>,
      %add3A_605 = arith.addf %get3A_604, %gather3A_601 : vector<16xf32>
      %get3A_606 = arith.index_cast %scan3A_491 : i32 to index
      %get3A_607 = arith.constant 96 : index
      %get3A_608 = tpu.vector_load %arg18[%get3A_606, %get3A_607] {strides = array<i32>} : memref<128x128xf32, #tpu.memory_space<vmem>>, vector<16xf32>,
      %get3A_609 = arith.index_cast %scan3A_491 : i32 to index
      %get3A_610 = arith.constant 96 : index
      %get3A_611 = tpu.vector_load %arg19[%get3A_609, %get3A_610] {strides = array<i32>} : memref<128x128xf32, #tpu.memory_space<vmem>>, vector<16xf32>,
      %add3A_612 = arith.addf %get3A_608, %get3A_611 : vector<16xf32>
      %mul3A_613 = arith.mulf %add3A_605, %add3A_612 : vector<16xf32>
      %add3A_614 = arith.addf %add3A_597, %mul3A_613 : vector<16xf32>
      %add3A_615 = arith.constant 112 : i32
      %add3A_616 = vector.broadcast %add3A_615 : i32 to vector<16xi32>
      %add3A_617 = arith.addi %iota3A, %add3A_616 : vector<16xi32>
      %gather3A_618 = tpu.vector_load_idx %arg24[%gather3A_493, %add3A_617] : memref<10x128xf32, #tpu.memory_space<vmem>>[vector<16xi32>, vector<16xi32>], vector<16xf32>,
      %get3A_619 = arith.index_cast %scan3A_491 : i32 to index
      %get3A_620 = arith.constant 112 : index
      %get3A_621 = tpu.vector_load %arg17[%get3A_619, %get3A_620] {strides = array<i32>} : memref<128x128xf32, #tpu.memory_space<vmem>>, vector<16xf32>,
      %add3A_622 = arith.addf %get3A_621, %gather3A_618 : vector<16xf32>
      %get3A_623 = arith.index_cast %scan3A_491 : i32 to index
      %get3A_624 = arith.constant 112 : index
      %get3A_625 = tpu.vector_load %arg18[%get3A_623, %get3A_624] {strides = array<i32>} : memref<128x128xf32, #tpu.memory_space<vmem>>, vector<16xf32>,
      %get3A_626 = arith.index_cast %scan3A_491 : i32 to index
      %get3A_627 = arith.constant 112 : index
      %get3A_628 = tpu.vector_load %arg19[%get3A_626, %get3A_627] {strides = array<i32>} : memref<128x128xf32, #tpu.memory_space<vmem>>, vector<16xf32>,
      %add3A_629 = arith.addf %get3A_625, %get3A_628 : vector<16xf32>
      %mul3A_630 = arith.mulf %add3A_622, %add3A_629 : vector<16xf32>
      %add3A_631 = arith.addf %add3A_614, %mul3A_630 : vector<16xf32>
      %broadcast_in_dim3A_632 = arith.constant true
      %broadcast_in_dim3A_633 = vector.broadcast %broadcast_in_dim3A_632 : i1 to vector<16xi1>
      %masked_cumsum3A_634 = tpu.scan <sum>, %add3A_631 masked %broadcast_in_dim3A_633 : vector<16xf32>, vector<16xi1> -> vector<16xf32>
      %broadcast_in_dim3A_635 = vector.broadcast %scan3A_491 : i32 to vector<16xi32>
      tpu.vector_store_idx %arg25[%broadcast_in_dim3A_635], %masked_cumsum3A_634 masked %eq3A_136 : memref<128xf32, #tpu.memory_space<vmem>>[vector<16xi32>], vector<16xf32>, vector<16xi1>
      %scan3A_636 = arith.constant 2 : i32
      %scan3A_637 = arith.addi %scan3A_346, %scan3A_636 : i32
      %broadcast_in_dim3A_638 = vector.broadcast %scan3A_637 : i32 to vector<16xi32>
      %gather3A_639 = tpu.vector_load_idx %arg16[%broadcast_in_dim3A_137, %broadcast_in_dim3A_638] : memref<4x128xi32, #tpu.memory_space<vmem>>[vector<16xi32>, vector<16xi32>], vector<16xi32>,
      %broadcast_in_dim3A_640 = arith.constant 0.000000e+00 : f32
      %broadcast_in_dim3A_641 = vector.broadcast %broadcast_in_dim3A_640 : f32 to vector<16xf32>
      %add3A_642 = arith.constant 0 : i32
      %add3A_643 = vector.broadcast %add3A_642 : i32 to vector<16xi32>
      %add3A_644 = arith.addi %iota3A, %add3A_643 : vector<16xi32>
      %gather3A_645 = tpu.vector_load_idx %arg24[%gather3A_639, %add3A_644] : memref<10x128xf32, #tpu.memory_space<vmem>>[vector<16xi32>, vector<16xi32>], vector<16xf32>,
      %get3A_646 = arith.index_cast %scan3A_637 : i32 to index
      %get3A_647 = arith.constant 0 : index
      %get3A_648 = tpu.vector_load %arg17[%get3A_646, %get3A_647] {strides = array<i32>} : memref<128x128xf32, #tpu.memory_space<vmem>>, vector<16xf32>,
      %add3A_649 = arith.addf %get3A_648, %gather3A_645 : vector<16xf32>
      %get3A_650 = arith.index_cast %scan3A_637 : i32 to index
      %get3A_651 = arith.constant 0 : index
      %get3A_652 = tpu.vector_load %arg18[%get3A_650, %get3A_651] {strides = array<i32>} : memref<128x128xf32, #tpu.memory_space<vmem>>, vector<16xf32>,
      %get3A_653 = arith.index_cast %scan3A_637 : i32 to index
      %get3A_654 = arith.constant 0 : index
      %get3A_655 = tpu.vector_load %arg19[%get3A_653, %get3A_654] {strides = array<i32>} : memref<128x128xf32, #tpu.memory_space<vmem>>, vector<16xf32>,
      %add3A_656 = arith.addf %get3A_652, %get3A_655 : vector<16xf32>
      %mul3A_657 = arith.mulf %add3A_649, %add3A_656 : vector<16xf32>
      %add3A_658 = arith.addf %broadcast_in_dim3A_641, %mul3A_657 : vector<16xf32>
      %add3A_659 = arith.constant 16 : i32
      %add3A_660 = vector.broadcast %add3A_659 : i32 to vector<16xi32>
      %add3A_661 = arith.addi %iota3A, %add3A_660 : vector<16xi32>
      %gather3A_662 = tpu.vector_load_idx %arg24[%gather3A_639, %add3A_661] : memref<10x128xf32, #tpu.memory_space<vmem>>[vector<16xi32>, vector<16xi32>], vector<16xf32>,
      %get3A_663 = arith.index_cast %scan3A_637 : i32 to index
      %get3A_664 = arith.constant 16 : index
      %get3A_665 = tpu.vector_load %arg17[%get3A_663, %get3A_664] {strides = array<i32>} : memref<128x128xf32, #tpu.memory_space<vmem>>, vector<16xf32>,
      %add3A_666 = arith.addf %get3A_665, %gather3A_662 : vector<16xf32>
      %get3A_667 = arith.index_cast %scan3A_637 : i32 to index
      %get3A_668 = arith.constant 16 : index
      %get3A_669 = tpu.vector_load %arg18[%get3A_667, %get3A_668] {strides = array<i32>} : memref<128x128xf32, #tpu.memory_space<vmem>>, vector<16xf32>,
      %get3A_670 = arith.index_cast %scan3A_637 : i32 to index
      %get3A_671 = arith.constant 16 : index
      %get3A_672 = tpu.vector_load %arg19[%get3A_670, %get3A_671] {strides = array<i32>} : memref<128x128xf32, #tpu.memory_space<vmem>>, vector<16xf32>,
      %add3A_673 = arith.addf %get3A_669, %get3A_672 : vector<16xf32>
      %mul3A_674 = arith.mulf %add3A_666, %add3A_673 : vector<16xf32>
      %add3A_675 = arith.addf %add3A_658, %mul3A_674 : vector<16xf32>
      %add3A_676 = arith.constant 32 : i32
      %add3A_677 = vector.broadcast %add3A_676 : i32 to vector<16xi32>
      %add3A_678 = arith.addi %iota3A, %add3A_677 : vector<16xi32>
      %gather3A_679 = tpu.vector_load_idx %arg24[%gather3A_639, %add3A_678] : memref<10x128xf32, #tpu.memory_space<vmem>>[vector<16xi32>, vector<16xi32>], vector<16xf32>,
      %get3A_680 = arith.index_cast %scan3A_637 : i32 to index
      %get3A_681 = arith.constant 32 : index
      %get3A_682 = tpu.vector_load %arg17[%get3A_680, %get3A_681] {strides = array<i32>} : memref<128x128xf32, #tpu.memory_space<vmem>>, vector<16xf32>,
      %add3A_683 = arith.addf %get3A_682, %gather3A_679 : vector<16xf32>
      %get3A_684 = arith.index_cast %scan3A_637 : i32 to index
      %get3A_685 = arith.constant 32 : index
      %get3A_686 = tpu.vector_load %arg18[%get3A_684, %get3A_685] {strides = array<i32>} : memref<128x128xf32, #tpu.memory_space<vmem>>, vector<16xf32>,
      %get3A_687 = arith.index_cast %scan3A_637 : i32 to index
      %get3A_688 = arith.constant 32 : index
      %get3A_689 = tpu.vector_load %arg19[%get3A_687, %get3A_688] {strides = array<i32>} : memref<128x128xf32, #tpu.memory_space<vmem>>, vector<16xf32>,
      %add3A_690 = arith.addf %get3A_686, %get3A_689 : vector<16xf32>
      %mul3A_691 = arith.mulf %add3A_683, %add3A_690 : vector<16xf32>
      %add3A_692 = arith.addf %add3A_675, %mul3A_691 : vector<16xf32>
      %add3A_693 = arith.constant 48 : i32
      %add3A_694 = vector.broadcast %add3A_693 : i32 to vector<16xi32>
      %add3A_695 = arith.addi %iota3A, %add3A_694 : vector<16xi32>
      %gather3A_696 = tpu.vector_load_idx %arg24[%gather3A_639, %add3A_695] : memref<10x128xf32, #tpu.memory_space<vmem>>[vector<16xi32>, vector<16xi32>], vector<16xf32>,
      %get3A_697 = arith.index_cast %scan3A_637 : i32 to index
      %get3A_698 = arith.constant 48 : index
      %get3A_699 = tpu.vector_load %arg17[%get3A_697, %get3A_698] {strides = array<i32>} : memref<128x128xf32, #tpu.memory_space<vmem>>, vector<16xf32>,
      %add3A_700 = arith.addf %get3A_699, %gather3A_696 : vector<16xf32>
      %get3A_701 = arith.index_cast %scan3A_637 : i32 to index
      %get3A_702 = arith.constant 48 : index
      %get3A_703 = tpu.vector_load %arg18[%get3A_701, %get3A_702] {strides = array<i32>} : memref<128x128xf32, #tpu.memory_space<vmem>>, vector<16xf32>,
      %get3A_704 = arith.index_cast %scan3A_637 : i32 to index
      %get3A_705 = arith.constant 48 : index
      %get3A_706 = tpu.vector_load %arg19[%get3A_704, %get3A_705] {strides = array<i32>} : memref<128x128xf32, #tpu.memory_space<vmem>>, vector<16xf32>,
      %add3A_707 = arith.addf %get3A_703, %get3A_706 : vector<16xf32>
      %mul3A_708 = arith.mulf %add3A_700, %add3A_707 : vector<16xf32>
      %add3A_709 = arith.addf %add3A_692, %mul3A_708 : vector<16xf32>
      %add3A_710 = arith.constant 64 : i32
      %add3A_711 = vector.broadcast %add3A_710 : i32 to vector<16xi32>
      %add3A_712 = arith.addi %iota3A, %add3A_711 : vector<16xi32>
      %gather3A_713 = tpu.vector_load_idx %arg24[%gather3A_639, %add3A_712] : memref<10x128xf32, #tpu.memory_space<vmem>>[vector<16xi32>, vector<16xi32>], vector<16xf32>,
      %get3A_714 = arith.index_cast %scan3A_637 : i32 to index
      %get3A_715 = arith.constant 64 : index
      %get3A_716 = tpu.vector_load %arg17[%get3A_714, %get3A_715] {strides = array<i32>} : memref<128x128xf32, #tpu.memory_space<vmem>>, vector<16xf32>,
      %add3A_717 = arith.addf %get3A_716, %gather3A_713 : vector<16xf32>
      %get3A_718 = arith.index_cast %scan3A_637 : i32 to index
      %get3A_719 = arith.constant 64 : index
      %get3A_720 = tpu.vector_load %arg18[%get3A_718, %get3A_719] {strides = array<i32>} : memref<128x128xf32, #tpu.memory_space<vmem>>, vector<16xf32>,
      %get3A_721 = arith.index_cast %scan3A_637 : i32 to index
      %get3A_722 = arith.constant 64 : index
      %get3A_723 = tpu.vector_load %arg19[%get3A_721, %get3A_722] {strides = array<i32>} : memref<128x128xf32, #tpu.memory_space<vmem>>, vector<16xf32>,
      %add3A_724 = arith.addf %get3A_720, %get3A_723 : vector<16xf32>
      %mul3A_725 = arith.mulf %add3A_717, %add3A_724 : vector<16xf32>
      %add3A_726 = arith.addf %add3A_709, %mul3A_725 : vector<16xf32>
      %add3A_727 = arith.constant 80 : i32
      %add3A_728 = vector.broadcast %add3A_727 : i32 to vector<16xi32>
      %add3A_729 = arith.addi %iota3A, %add3A_728 : vector<16xi32>
      %gather3A_730 = tpu.vector_load_idx %arg24[%gather3A_639, %add3A_729] : memref<10x128xf32, #tpu.memory_space<vmem>>[vector<16xi32>, vector<16xi32>], vector<16xf32>,
      %get3A_731 = arith.index_cast %scan3A_637 : i32 to index
      %get3A_732 = arith.constant 80 : index
      %get3A_733 = tpu.vector_load %arg17[%get3A_731, %get3A_732] {strides = array<i32>} : memref<128x128xf32, #tpu.memory_space<vmem>>, vector<16xf32>,
      %add3A_734 = arith.addf %get3A_733, %gather3A_730 : vector<16xf32>
      %get3A_735 = arith.index_cast %scan3A_637 : i32 to index
      %get3A_736 = arith.constant 80 : index
      %get3A_737 = tpu.vector_load %arg18[%get3A_735, %get3A_736] {strides = array<i32>} : memref<128x128xf32, #tpu.memory_space<vmem>>, vector<16xf32>,
      %get3A_738 = arith.index_cast %scan3A_637 : i32 to index
      %get3A_739 = arith.constant 80 : index
      %get3A_740 = tpu.vector_load %arg19[%get3A_738, %get3A_739] {strides = array<i32>} : memref<128x128xf32, #tpu.memory_space<vmem>>, vector<16xf32>,
      %add3A_741 = arith.addf %get3A_737, %get3A_740 : vector<16xf32>
      %mul3A_742 = arith.mulf %add3A_734, %add3A_741 : vector<16xf32>
      %add3A_743 = arith.addf %add3A_726, %mul3A_742 : vector<16xf32>
      %add3A_744 = arith.constant 96 : i32
      %add3A_745 = vector.broadcast %add3A_744 : i32 to vector<16xi32>
      %add3A_746 = arith.addi %iota3A, %add3A_745 : vector<16xi32>
      %gather3A_747 = tpu.vector_load_idx %arg24[%gather3A_639, %add3A_746] : memref<10x128xf32, #tpu.memory_space<vmem>>[vector<16xi32>, vector<16xi32>], vector<16xf32>,
      %get3A_748 = arith.index_cast %scan3A_637 : i32 to index
      %get3A_749 = arith.constant 96 : index
      %get3A_750 = tpu.vector_load %arg17[%get3A_748, %get3A_749] {strides = array<i32>} : memref<128x128xf32, #tpu.memory_space<vmem>>, vector<16xf32>,
      %add3A_751 = arith.addf %get3A_750, %gather3A_747 : vector<16xf32>
      %get3A_752 = arith.index_cast %scan3A_637 : i32 to index
      %get3A_753 = arith.constant 96 : index
      %get3A_754 = tpu.vector_load %arg18[%get3A_752, %get3A_753] {strides = array<i32>} : memref<128x128xf32, #tpu.memory_space<vmem>>, vector<16xf32>,
      %get3A_755 = arith.index_cast %scan3A_637 : i32 to index
      %get3A_756 = arith.constant 96 : index
      %get3A_757 = tpu.vector_load %arg19[%get3A_755, %get3A_756] {strides = array<i32>} : memref<128x128xf32, #tpu.memory_space<vmem>>, vector<16xf32>,
      %add3A_758 = arith.addf %get3A_754, %get3A_757 : vector<16xf32>
      %mul3A_759 = arith.mulf %add3A_751, %add3A_758 : vector<16xf32>
      %add3A_760 = arith.addf %add3A_743, %mul3A_759 : vector<16xf32>
      %add3A_761 = arith.constant 112 : i32
      %add3A_762 = vector.broadcast %add3A_761 : i32 to vector<16xi32>
      %add3A_763 = arith.addi %iota3A, %add3A_762 : vector<16xi32>
      %gather3A_764 = tpu.vector_load_idx %arg24[%gather3A_639, %add3A_763] : memref<10x128xf32, #tpu.memory_space<vmem>>[vector<16xi32>, vector<16xi32>], vector<16xf32>,
      %get3A_765 = arith.index_cast %scan3A_637 : i32 to index
      %get3A_766 = arith.constant 112 : index
      %get3A_767 = tpu.vector_load %arg17[%get3A_765, %get3A_766] {strides = array<i32>} : memref<128x128xf32, #tpu.memory_space<vmem>>, vector<16xf32>,
      %add3A_768 = arith.addf %get3A_767, %gather3A_764 : vector<16xf32>
      %get3A_769 = arith.index_cast %scan3A_637 : i32 to index
      %get3A_770 = arith.constant 112 : index
      %get3A_771 = tpu.vector_load %arg18[%get3A_769, %get3A_770] {strides = array<i32>} : memref<128x128xf32, #tpu.memory_space<vmem>>, vector<16xf32>,
      %get3A_772 = arith.index_cast %scan3A_637 : i32 to index
      %get3A_773 = arith.constant 112 : index
      %get3A_774 = tpu.vector_load %arg19[%get3A_772, %get3A_773] {strides = array<i32>} : memref<128x128xf32, #tpu.memory_space<vmem>>, vector<16xf32>,
      %add3A_775 = arith.addf %get3A_771, %get3A_774 : vector<16xf32>
      %mul3A_776 = arith.mulf %add3A_768, %add3A_775 : vector<16xf32>
      %add3A_777 = arith.addf %add3A_760, %mul3A_776 : vector<16xf32>
      %broadcast_in_dim3A_778 = arith.constant true
      %broadcast_in_dim3A_779 = vector.broadcast %broadcast_in_dim3A_778 : i1 to vector<16xi1>
      %masked_cumsum3A_780 = tpu.scan <sum>, %add3A_777 masked %broadcast_in_dim3A_779 : vector<16xf32>, vector<16xi1> -> vector<16xf32>
      %broadcast_in_dim3A_781 = vector.broadcast %scan3A_637 : i32 to vector<16xi32>
      tpu.vector_store_idx %arg25[%broadcast_in_dim3A_781], %masked_cumsum3A_780 masked %eq3A_136 : memref<128xf32, #tpu.memory_space<vmem>>[vector<16xi32>], vector<16xf32>, vector<16xi1>
      %scan3A_782 = arith.constant 3 : i32
      %scan3A_783 = arith.addi %scan3A_346, %scan3A_782 : i32
      %broadcast_in_dim3A_784 = vector.broadcast %scan3A_783 : i32 to vector<16xi32>
      %gather3A_785 = tpu.vector_load_idx %arg16[%broadcast_in_dim3A_137, %broadcast_in_dim3A_784] : memref<4x128xi32, #tpu.memory_space<vmem>>[vector<16xi32>, vector<16xi32>], vector<16xi32>,
      %broadcast_in_dim3A_786 = arith.constant 0.000000e+00 : f32
      %broadcast_in_dim3A_787 = vector.broadcast %broadcast_in_dim3A_786 : f32 to vector<16xf32>
      %add3A_788 = arith.constant 0 : i32
      %add3A_789 = vector.broadcast %add3A_788 : i32 to vector<16xi32>
      %add3A_790 = arith.addi %iota3A, %add3A_789 : vector<16xi32>
      %gather3A_791 = tpu.vector_load_idx %arg24[%gather3A_785, %add3A_790] : memref<10x128xf32, #tpu.memory_space<vmem>>[vector<16xi32>, vector<16xi32>], vector<16xf32>,
      %get3A_792 = arith.index_cast %scan3A_783 : i32 to index
      %get3A_793 = arith.constant 0 : index
      %get3A_794 = tpu.vector_load %arg17[%get3A_792, %get3A_793] {strides = array<i32>} : memref<128x128xf32, #tpu.memory_space<vmem>>, vector<16xf32>,
      %add3A_795 = arith.addf %get3A_794, %gather3A_791 : vector<16xf32>
      %get3A_796 = arith.index_cast %scan3A_783 : i32 to index
      %get3A_797 = arith.constant 0 : index
      %get3A_798 = tpu.vector_load %arg18[%get3A_796, %get3A_797] {strides = array<i32>} : memref<128x128xf32, #tpu.memory_space<vmem>>, vector<16xf32>,
      %get3A_799 = arith.index_cast %scan3A_783 : i32 to index
      %get3A_800 = arith.constant 0 : index
      %get3A_801 = tpu.vector_load %arg19[%get3A_799, %get3A_800] {strides = array<i32>} : memref<128x128xf32, #tpu.memory_space<vmem>>, vector<16xf32>,
      %add3A_802 = arith.addf %get3A_798, %get3A_801 : vector<16xf32>
      %mul3A_803 = arith.mulf %add3A_795, %add3A_802 : vector<16xf32>
      %add3A_804 = arith.addf %broadcast_in_dim3A_787, %mul3A_803 : vector<16xf32>
      %add3A_805 = arith.constant 16 : i32
      %add3A_806 = vector.broadcast %add3A_805 : i32 to vector<16xi32>
      %add3A_807 = arith.addi %iota3A, %add3A_806 : vector<16xi32>
      %gather3A_808 = tpu.vector_load_idx %arg24[%gather3A_785, %add3A_807] : memref<10x128xf32, #tpu.memory_space<vmem>>[vector<16xi32>, vector<16xi32>], vector<16xf32>,
      %get3A_809 = arith.index_cast %scan3A_783 : i32 to index
      %get3A_810 = arith.constant 16 : index
      %get3A_811 = tpu.vector_load %arg17[%get3A_809, %get3A_810] {strides = array<i32>} : memref<128x128xf32, #tpu.memory_space<vmem>>, vector<16xf32>,
      %add3A_812 = arith.addf %get3A_811, %gather3A_808 : vector<16xf32>
      %get3A_813 = arith.index_cast %scan3A_783 : i32 to index
      %get3A_814 = arith.constant 16 : index
      %get3A_815 = tpu.vector_load %arg18[%get3A_813, %get3A_814] {strides = array<i32>} : memref<128x128xf32, #tpu.memory_space<vmem>>, vector<16xf32>,
      %get3A_816 = arith.index_cast %scan3A_783 : i32 to index
      %get3A_817 = arith.constant 16 : index
      %get3A_818 = tpu.vector_load %arg19[%get3A_816, %get3A_817] {strides = array<i32>} : memref<128x128xf32, #tpu.memory_space<vmem>>, vector<16xf32>,
      %add3A_819 = arith.addf %get3A_815, %get3A_818 : vector<16xf32>
      %mul3A_820 = arith.mulf %add3A_812, %add3A_819 : vector<16xf32>
      %add3A_821 = arith.addf %add3A_804, %mul3A_820 : vector<16xf32>
      %add3A_822 = arith.constant 32 : i32
      %add3A_823 = vector.broadcast %add3A_822 : i32 to vector<16xi32>
      %add3A_824 = arith.addi %iota3A, %add3A_823 : vector<16xi32>
      %gather3A_825 = tpu.vector_load_idx %arg24[%gather3A_785, %add3A_824] : memref<10x128xf32, #tpu.memory_space<vmem>>[vector<16xi32>, vector<16xi32>], vector<16xf32>,
      %get3A_826 = arith.index_cast %scan3A_783 : i32 to index
      %get3A_827 = arith.constant 32 : index
      %get3A_828 = tpu.vector_load %arg17[%get3A_826, %get3A_827] {strides = array<i32>} : memref<128x128xf32, #tpu.memory_space<vmem>>, vector<16xf32>,
      %add3A_829 = arith.addf %get3A_828, %gather3A_825 : vector<16xf32>
      %get3A_830 = arith.index_cast %scan3A_783 : i32 to index
      %get3A_831 = arith.constant 32 : index
      %get3A_832 = tpu.vector_load %arg18[%get3A_830, %get3A_831] {strides = array<i32>} : memref<128x128xf32, #tpu.memory_space<vmem>>, vector<16xf32>,
      %get3A_833 = arith.index_cast %scan3A_783 : i32 to index
      %get3A_834 = arith.constant 32 : index
      %get3A_835 = tpu.vector_load %arg19[%get3A_833, %get3A_834] {strides = array<i32>} : memref<128x128xf32, #tpu.memory_space<vmem>>, vector<16xf32>,
      %add3A_836 = arith.addf %get3A_832, %get3A_835 : vector<16xf32>
      %mul3A_837 = arith.mulf %add3A_829, %add3A_836 : vector<16xf32>
      %add3A_838 = arith.addf %add3A_821, %mul3A_837 : vector<16xf32>
      %add3A_839 = arith.constant 48 : i32
      %add3A_840 = vector.broadcast %add3A_839 : i32 to vector<16xi32>
      %add3A_841 = arith.addi %iota3A, %add3A_840 : vector<16xi32>
      %gather3A_842 = tpu.vector_load_idx %arg24[%gather3A_785, %add3A_841] : memref<10x128xf32, #tpu.memory_space<vmem>>[vector<16xi32>, vector<16xi32>], vector<16xf32>,
      %get3A_843 = arith.index_cast %scan3A_783 : i32 to index
      %get3A_844 = arith.constant 48 : index
      %get3A_845 = tpu.vector_load %arg17[%get3A_843, %get3A_844] {strides = array<i32>} : memref<128x128xf32, #tpu.memory_space<vmem>>, vector<16xf32>,
      %add3A_846 = arith.addf %get3A_845, %gather3A_842 : vector<16xf32>
      %get3A_847 = arith.index_cast %scan3A_783 : i32 to index
      %get3A_848 = arith.constant 48 : index
      %get3A_849 = tpu.vector_load %arg18[%get3A_847, %get3A_848] {strides = array<i32>} : memref<128x128xf32, #tpu.memory_space<vmem>>, vector<16xf32>,
      %get3A_850 = arith.index_cast %scan3A_783 : i32 to index
      %get3A_851 = arith.constant 48 : index
      %get3A_852 = tpu.vector_load %arg19[%get3A_850, %get3A_851] {strides = array<i32>} : memref<128x128xf32, #tpu.memory_space<vmem>>, vector<16xf32>,
      %add3A_853 = arith.addf %get3A_849, %get3A_852 : vector<16xf32>
      %mul3A_854 = arith.mulf %add3A_846, %add3A_853 : vector<16xf32>
      %add3A_855 = arith.addf %add3A_838, %mul3A_854 : vector<16xf32>
      %add3A_856 = arith.constant 64 : i32
      %add3A_857 = vector.broadcast %add3A_856 : i32 to vector<16xi32>
      %add3A_858 = arith.addi %iota3A, %add3A_857 : vector<16xi32>
      %gather3A_859 = tpu.vector_load_idx %arg24[%gather3A_785, %add3A_858] : memref<10x128xf32, #tpu.memory_space<vmem>>[vector<16xi32>, vector<16xi32>], vector<16xf32>,
      %get3A_860 = arith.index_cast %scan3A_783 : i32 to index
      %get3A_861 = arith.constant 64 : index
      %get3A_862 = tpu.vector_load %arg17[%get3A_860, %get3A_861] {strides = array<i32>} : memref<128x128xf32, #tpu.memory_space<vmem>>, vector<16xf32>,
      %add3A_863 = arith.addf %get3A_862, %gather3A_859 : vector<16xf32>
      %get3A_864 = arith.index_cast %scan3A_783 : i32 to index
      %get3A_865 = arith.constant 64 : index
      %get3A_866 = tpu.vector_load %arg18[%get3A_864, %get3A_865] {strides = array<i32>} : memref<128x128xf32, #tpu.memory_space<vmem>>, vector<16xf32>,
      %get3A_867 = arith.index_cast %scan3A_783 : i32 to index
      %get3A_868 = arith.constant 64 : index
      %get3A_869 = tpu.vector_load %arg19[%get3A_867, %get3A_868] {strides = array<i32>} : memref<128x128xf32, #tpu.memory_space<vmem>>, vector<16xf32>,
      %add3A_870 = arith.addf %get3A_866, %get3A_869 : vector<16xf32>
      %mul3A_871 = arith.mulf %add3A_863, %add3A_870 : vector<16xf32>
      %add3A_872 = arith.addf %add3A_855, %mul3A_871 : vector<16xf32>
      %add3A_873 = arith.constant 80 : i32
      %add3A_874 = vector.broadcast %add3A_873 : i32 to vector<16xi32>
      %add3A_875 = arith.addi %iota3A, %add3A_874 : vector<16xi32>
      %gather3A_876 = tpu.vector_load_idx %arg24[%gather3A_785, %add3A_875] : memref<10x128xf32, #tpu.memory_space<vmem>>[vector<16xi32>, vector<16xi32>], vector<16xf32>,
      %get3A_877 = arith.index_cast %scan3A_783 : i32 to index
      %get3A_878 = arith.constant 80 : index
      %get3A_879 = tpu.vector_load %arg17[%get3A_877, %get3A_878] {strides = array<i32>} : memref<128x128xf32, #tpu.memory_space<vmem>>, vector<16xf32>,
      %add3A_880 = arith.addf %get3A_879, %gather3A_876 : vector<16xf32>
      %get3A_881 = arith.index_cast %scan3A_783 : i32 to index
      %get3A_882 = arith.constant 80 : index
      %get3A_883 = tpu.vector_load %arg18[%get3A_881, %get3A_882] {strides = array<i32>} : memref<128x128xf32, #tpu.memory_space<vmem>>, vector<16xf32>,
      %get3A_884 = arith.index_cast %scan3A_783 : i32 to index
      %get3A_885 = arith.constant 80 : index
      %get3A_886 = tpu.vector_load %arg19[%get3A_884, %get3A_885] {strides = array<i32>} : memref<128x128xf32, #tpu.memory_space<vmem>>, vector<16xf32>,
      %add3A_887 = arith.addf %get3A_883, %get3A_886 : vector<16xf32>
      %mul3A_888 = arith.mulf %add3A_880, %add3A_887 : vector<16xf32>
      %add3A_889 = arith.addf %add3A_872, %mul3A_888 : vector<16xf32>
      %add3A_890 = arith.constant 96 : i32
      %add3A_891 = vector.broadcast %add3A_890 : i32 to vector<16xi32>
      %add3A_892 = arith.addi %iota3A, %add3A_891 : vector<16xi32>
      %gather3A_893 = tpu.vector_load_idx %arg24[%gather3A_785, %add3A_892] : memref<10x128xf32, #tpu.memory_space<vmem>>[vector<16xi32>, vector<16xi32>], vector<16xf32>,
      %get3A_894 = arith.index_cast %scan3A_783 : i32 to index
      %get3A_895 = arith.constant 96 : index
      %get3A_896 = tpu.vector_load %arg17[%get3A_894, %get3A_895] {strides = array<i32>} : memref<128x128xf32, #tpu.memory_space<vmem>>, vector<16xf32>,
      %add3A_897 = arith.addf %get3A_896, %gather3A_893 : vector<16xf32>
      %get3A_898 = arith.index_cast %scan3A_783 : i32 to index
      %get3A_899 = arith.constant 96 : index
      %get3A_900 = tpu.vector_load %arg18[%get3A_898, %get3A_899] {strides = array<i32>} : memref<128x128xf32, #tpu.memory_space<vmem>>, vector<16xf32>,
      %get3A_901 = arith.index_cast %scan3A_783 : i32 to index
      %get3A_902 = arith.constant 96 : index
      %get3A_903 = tpu.vector_load %arg19[%get3A_901, %get3A_902] {strides = array<i32>} : memref<128x128xf32, #tpu.memory_space<vmem>>, vector<16xf32>,
      %add3A_904 = arith.addf %get3A_900, %get3A_903 : vector<16xf32>
      %mul3A_905 = arith.mulf %add3A_897, %add3A_904 : vector<16xf32>
      %add3A_906 = arith.addf %add3A_889, %mul3A_905 : vector<16xf32>
      %add3A_907 = arith.constant 112 : i32
      %add3A_908 = vector.broadcast %add3A_907 : i32 to vector<16xi32>
      %add3A_909 = arith.addi %iota3A, %add3A_908 : vector<16xi32>
      %gather3A_910 = tpu.vector_load_idx %arg24[%gather3A_785, %add3A_909] : memref<10x128xf32, #tpu.memory_space<vmem>>[vector<16xi32>, vector<16xi32>], vector<16xf32>,
      %get3A_911 = arith.index_cast %scan3A_783 : i32 to index
      %get3A_912 = arith.constant 112 : index
      %get3A_913 = tpu.vector_load %arg17[%get3A_911, %get3A_912] {strides = array<i32>} : memref<128x128xf32, #tpu.memory_space<vmem>>, vector<16xf32>,
      %add3A_914 = arith.addf %get3A_913, %gather3A_910 : vector<16xf32>
      %get3A_915 = arith.index_cast %scan3A_783 : i32 to index
      %get3A_916 = arith.constant 112 : index
      %get3A_917 = tpu.vector_load %arg18[%get3A_915, %get3A_916] {strides = array<i32>} : memref<128x128xf32, #tpu.memory_space<vmem>>, vector<16xf32>,
      %get3A_918 = arith.index_cast %scan3A_783 : i32 to index
      %get3A_919 = arith.constant 112 : index
      %get3A_920 = tpu.vector_load %arg19[%get3A_918, %get3A_919] {strides = array<i32>} : memref<128x128xf32, #tpu.memory_space<vmem>>, vector<16xf32>,
      %add3A_921 = arith.addf %get3A_917, %get3A_920 : vector<16xf32>
      %mul3A_922 = arith.mulf %add3A_914, %add3A_921 : vector<16xf32>
      %add3A_923 = arith.addf %add3A_906, %mul3A_922 : vector<16xf32>
      %broadcast_in_dim3A_924 = arith.constant true
      %broadcast_in_dim3A_925 = vector.broadcast %broadcast_in_dim3A_924 : i1 to vector<16xi1>
      %masked_cumsum3A_926 = tpu.scan <sum>, %add3A_923 masked %broadcast_in_dim3A_925 : vector<16xf32>, vector<16xi1> -> vector<16xf32>
      %broadcast_in_dim3A_927 = vector.broadcast %scan3A_783 : i32 to vector<16xi32>
      tpu.vector_store_idx %arg25[%broadcast_in_dim3A_927], %masked_cumsum3A_926 masked %eq3A_136 : memref<128xf32, #tpu.memory_space<vmem>>[vector<16xi32>], vector<16xf32>, vector<16xi1>
    }
    %scan3A_142 = arith.constant 128 : i32
    %dma_wait3A_143 = arith.constant 0 : i32
    %dma_wait3A_144 = arith.constant 0 : i32
    %dma_wait3A_145 = tpu.memref_slice %arg16[%dma_wait3A_143, %dma_wait3A_144] : memref<4x128xi32, #tpu.memory_space<vmem>> -> memref<1x128xi32, #tpu.memory_space<vmem>>
    %dma_wait3A_146 = tpu.memref_squeeze %dma_wait3A_145 : memref<1x128xi32, #tpu.memory_space<vmem>> -> memref<128xi32, #tpu.memory_space<vmem>>
    %dma_wait3A_147 = arith.constant 0 : i32
    %dma_wait3A_148 = tpu.memref_slice %arg6[%dma_wait3A_147] : memref<100000xf32, #tpu.memory_space<hbm>> -> memref<100000xf32, #tpu.memory_space<hbm>>
    tpu.wait_indirect_dma semaphore(%arg30 : memref<!tpu.dma_semaphore, #tpu.memory_space<semaphore_mem>>) src(%dma_wait3A_148 : memref<100000xf32, #tpu.memory_space<hbm>>) dst(%arg20 : memref<128xf32, #tpu.memory_space<vmem>>)
    %dma_wait3A_149 = arith.constant 1 : i32
    %dma_wait3A_150 = arith.constant 0 : i32
    %dma_wait3A_151 = tpu.memref_slice %arg16[%dma_wait3A_149, %dma_wait3A_150] : memref<4x128xi32, #tpu.memory_space<vmem>> -> memref<1x128xi32, #tpu.memory_space<vmem>>
    %dma_wait3A_152 = tpu.memref_squeeze %dma_wait3A_151 : memref<1x128xi32, #tpu.memory_space<vmem>> -> memref<128xi32, #tpu.memory_space<vmem>>
    %dma_wait3A_153 = arith.constant 0 : i32
    %dma_wait3A_154 = tpu.memref_slice %arg8[%dma_wait3A_153] : memref<100000xf32, #tpu.memory_space<hbm>> -> memref<100000xf32, #tpu.memory_space<hbm>>
    tpu.wait_indirect_dma semaphore(%arg30 : memref<!tpu.dma_semaphore, #tpu.memory_space<semaphore_mem>>) src(%dma_wait3A_154 : memref<100000xf32, #tpu.memory_space<hbm>>) dst(%arg21 : memref<128xf32, #tpu.memory_space<vmem>>)
    %get3A = arith.constant 0 : index
    %get3A_155 = tpu.vector_load %arg26[%get3A] {strides = array<i32>} : memref<16xf32, #tpu.memory_space<vmem>>, vector<16xf32>,
    %slice3A = vector.extract_strided_slice %get3A_155 {offsets = [0], sizes = [1], strides = [1]} : vector<16xf32> to vector<1xf32>
    %squeeze3A = vector.extract %slice3A[0] : f32 from vector<1xf32>
    %get3A_156 = arith.constant 2 : i32
    %get3A_157 = arith.index_cast %get3A_156 : i32 to index
    %get3A_158 = arith.constant 0 : index
    %get3A_159 = tpu.vector_load %arg16[%get3A_157, %get3A_158] {strides = array<i32>} : memref<4x128xi32, #tpu.memory_space<vmem>>, vector<16xi32>,
    %get3A_160 = arith.constant 3 : i32
    %get3A_161 = arith.index_cast %get3A_160 : i32 to index
    %get3A_162 = arith.constant 0 : index
    %get3A_163 = tpu.vector_load %arg16[%get3A_161, %get3A_162] {strides = array<i32>} : memref<4x128xi32, #tpu.memory_space<vmem>>, vector<16xi32>,
    %get3A_164 = arith.constant 0 : index
    %get3A_165 = tpu.vector_load %arg20[%get3A_164] {strides = array<i32>} : memref<128xf32, #tpu.memory_space<vmem>>, vector<16xf32>,
    %get3A_166 = arith.constant 0 : index
    %get3A_167 = tpu.vector_load %arg21[%get3A_166] {strides = array<i32>} : memref<128xf32, #tpu.memory_space<vmem>>, vector<16xf32>,
    %add3A_168 = arith.addf %get3A_165, %get3A_167 : vector<16xf32>
    %gather3A = tpu.vector_load_idx %arg22[%get3A_159] : memref<10xf32, #tpu.memory_space<vmem>>[vector<16xi32>], vector<16xf32>,
    %add3A_169 = arith.addf %add3A_168, %gather3A : vector<16xf32>
    %gather3A_170 = tpu.vector_load_idx %arg23[%get3A_163] : memref<1000xf32, #tpu.memory_space<vmem>>[vector<16xi32>], vector<16xf32>,
    %add3A_171 = arith.addf %add3A_169, %gather3A_170 : vector<16xf32>
    %get3A_172 = arith.constant 0 : index
    %get3A_173 = tpu.vector_load %arg25[%get3A_172] {strides = array<i32>} : memref<128xf32, #tpu.memory_space<vmem>>, vector<16xf32>,
    %add3A_174 = arith.addf %get3A_173, %add3A_171 : vector<16xf32>
    %add3A_175 = vector.broadcast %squeeze3A : f32 to vector<16xf32>
    %add3A_176 = arith.addf %add3A_174, %add3A_175 : vector<16xf32>
    %swap3A = arith.constant 0 : index
    %swap3A_177 = tpu.vector_load %arg25[%swap3A] {strides = array<i32>} : memref<128xf32, #tpu.memory_space<vmem>>, vector<16xf32>,
    tpu.vector_store %arg25[%swap3A], %add3A_176 {strides = array<i32>} : memref<128xf32, #tpu.memory_space<vmem>>, vector<16xf32>,
    %get3A_178 = arith.constant 2 : i32
    %get3A_179 = arith.index_cast %get3A_178 : i32 to index
    %get3A_180 = arith.constant 16 : index
    %get3A_181 = tpu.vector_load %arg16[%get3A_179, %get3A_180] {strides = array<i32>} : memref<4x128xi32, #tpu.memory_space<vmem>>, vector<16xi32>,
    %get3A_182 = arith.constant 3 : i32
    %get3A_183 = arith.index_cast %get3A_182 : i32 to index
    %get3A_184 = arith.constant 16 : index
    %get3A_185 = tpu.vector_load %arg16[%get3A_183, %get3A_184] {strides = array<i32>} : memref<4x128xi32, #tpu.memory_space<vmem>>, vector<16xi32>,
    %get3A_186 = arith.constant 16 : index
    %get3A_187 = tpu.vector_load %arg20[%get3A_186] {strides = array<i32>} : memref<128xf32, #tpu.memory_space<vmem>>, vector<16xf32>,
    %get3A_188 = arith.constant 16 : index
    %get3A_189 = tpu.vector_load %arg21[%get3A_188] {strides = array<i32>} : memref<128xf32, #tpu.memory_space<vmem>>, vector<16xf32>,
    %add3A_190 = arith.addf %get3A_187, %get3A_189 : vector<16xf32>
    %gather3A_191 = tpu.vector_load_idx %arg22[%get3A_181] : memref<10xf32, #tpu.memory_space<vmem>>[vector<16xi32>], vector<16xf32>,
    %add3A_192 = arith.addf %add3A_190, %gather3A_191 : vector<16xf32>
    %gather3A_193 = tpu.vector_load_idx %arg23[%get3A_185] : memref<1000xf32, #tpu.memory_space<vmem>>[vector<16xi32>], vector<16xf32>,
    %add3A_194 = arith.addf %add3A_192, %gather3A_193 : vector<16xf32>
    %get3A_195 = arith.constant 16 : index
    %get3A_196 = tpu.vector_load %arg25[%get3A_195] {strides = array<i32>} : memref<128xf32, #tpu.memory_space<vmem>>, vector<16xf32>,
    %add3A_197 = arith.addf %get3A_196, %add3A_194 : vector<16xf32>
    %add3A_198 = vector.broadcast %squeeze3A : f32 to vector<16xf32>
    %add3A_199 = arith.addf %add3A_197, %add3A_198 : vector<16xf32>
    %swap3A_200 = arith.constant 16 : index
    %swap3A_201 = tpu.vector_load %arg25[%swap3A_200] {strides = array<i32>} : memref<128xf32, #tpu.memory_space<vmem>>, vector<16xf32>,
    tpu.vector_store %arg25[%swap3A_200], %add3A_199 {strides = array<i32>} : memref<128xf32, #tpu.memory_space<vmem>>, vector<16xf32>,
    %get3A_202 = arith.constant 2 : i32
    %get3A_203 = arith.index_cast %get3A_202 : i32 to index
    %get3A_204 = arith.constant 32 : index
    %get3A_205 = tpu.vector_load %arg16[%get3A_203, %get3A_204] {strides = array<i32>} : memref<4x128xi32, #tpu.memory_space<vmem>>, vector<16xi32>,
    %get3A_206 = arith.constant 3 : i32
    %get3A_207 = arith.index_cast %get3A_206 : i32 to index
    %get3A_208 = arith.constant 32 : index
    %get3A_209 = tpu.vector_load %arg16[%get3A_207, %get3A_208] {strides = array<i32>} : memref<4x128xi32, #tpu.memory_space<vmem>>, vector<16xi32>,
    %get3A_210 = arith.constant 32 : index
    %get3A_211 = tpu.vector_load %arg20[%get3A_210] {strides = array<i32>} : memref<128xf32, #tpu.memory_space<vmem>>, vector<16xf32>,
    %get3A_212 = arith.constant 32 : index
    %get3A_213 = tpu.vector_load %arg21[%get3A_212] {strides = array<i32>} : memref<128xf32, #tpu.memory_space<vmem>>, vector<16xf32>,
    %add3A_214 = arith.addf %get3A_211, %get3A_213 : vector<16xf32>
    %gather3A_215 = tpu.vector_load_idx %arg22[%get3A_205] : memref<10xf32, #tpu.memory_space<vmem>>[vector<16xi32>], vector<16xf32>,
    %add3A_216 = arith.addf %add3A_214, %gather3A_215 : vector<16xf32>
    %gather3A_217 = tpu.vector_load_idx %arg23[%get3A_209] : memref<1000xf32, #tpu.memory_space<vmem>>[vector<16xi32>], vector<16xf32>,
    %add3A_218 = arith.addf %add3A_216, %gather3A_217 : vector<16xf32>
    %get3A_219 = arith.constant 32 : index
    %get3A_220 = tpu.vector_load %arg25[%get3A_219] {strides = array<i32>} : memref<128xf32, #tpu.memory_space<vmem>>, vector<16xf32>,
    %add3A_221 = arith.addf %get3A_220, %add3A_218 : vector<16xf32>
    %add3A_222 = vector.broadcast %squeeze3A : f32 to vector<16xf32>
    %add3A_223 = arith.addf %add3A_221, %add3A_222 : vector<16xf32>
    %swap3A_224 = arith.constant 32 : index
    %swap3A_225 = tpu.vector_load %arg25[%swap3A_224] {strides = array<i32>} : memref<128xf32, #tpu.memory_space<vmem>>, vector<16xf32>,
    tpu.vector_store %arg25[%swap3A_224], %add3A_223 {strides = array<i32>} : memref<128xf32, #tpu.memory_space<vmem>>, vector<16xf32>,
    %get3A_226 = arith.constant 2 : i32
    %get3A_227 = arith.index_cast %get3A_226 : i32 to index
    %get3A_228 = arith.constant 48 : index
    %get3A_229 = tpu.vector_load %arg16[%get3A_227, %get3A_228] {strides = array<i32>} : memref<4x128xi32, #tpu.memory_space<vmem>>, vector<16xi32>,
    %get3A_230 = arith.constant 3 : i32
    %get3A_231 = arith.index_cast %get3A_230 : i32 to index
    %get3A_232 = arith.constant 48 : index
    %get3A_233 = tpu.vector_load %arg16[%get3A_231, %get3A_232] {strides = array<i32>} : memref<4x128xi32, #tpu.memory_space<vmem>>, vector<16xi32>,
    %get3A_234 = arith.constant 48 : index
    %get3A_235 = tpu.vector_load %arg20[%get3A_234] {strides = array<i32>} : memref<128xf32, #tpu.memory_space<vmem>>, vector<16xf32>,
    %get3A_236 = arith.constant 48 : index
    %get3A_237 = tpu.vector_load %arg21[%get3A_236] {strides = array<i32>} : memref<128xf32, #tpu.memory_space<vmem>>, vector<16xf32>,
    %add3A_238 = arith.addf %get3A_235, %get3A_237 : vector<16xf32>
    %gather3A_239 = tpu.vector_load_idx %arg22[%get3A_229] : memref<10xf32, #tpu.memory_space<vmem>>[vector<16xi32>], vector<16xf32>,
    %add3A_240 = arith.addf %add3A_238, %gather3A_239 : vector<16xf32>
    %gather3A_241 = tpu.vector_load_idx %arg23[%get3A_233] : memref<1000xf32, #tpu.memory_space<vmem>>[vector<16xi32>], vector<16xf32>,
    %add3A_242 = arith.addf %add3A_240, %gather3A_241 : vector<16xf32>
    %get3A_243 = arith.constant 48 : index
    %get3A_244 = tpu.vector_load %arg25[%get3A_243] {strides = array<i32>} : memref<128xf32, #tpu.memory_space<vmem>>, vector<16xf32>,
    %add3A_245 = arith.addf %get3A_244, %add3A_242 : vector<16xf32>
    %add3A_246 = vector.broadcast %squeeze3A : f32 to vector<16xf32>
    %add3A_247 = arith.addf %add3A_245, %add3A_246 : vector<16xf32>
    %swap3A_248 = arith.constant 48 : index
    %swap3A_249 = tpu.vector_load %arg25[%swap3A_248] {strides = array<i32>} : memref<128xf32, #tpu.memory_space<vmem>>, vector<16xf32>,
    tpu.vector_store %arg25[%swap3A_248], %add3A_247 {strides = array<i32>} : memref<128xf32, #tpu.memory_space<vmem>>, vector<16xf32>,
    %get3A_250 = arith.constant 2 : i32
    %get3A_251 = arith.index_cast %get3A_250 : i32 to index
    %get3A_252 = arith.constant 64 : index
    %get3A_253 = tpu.vector_load %arg16[%get3A_251, %get3A_252] {strides = array<i32>} : memref<4x128xi32, #tpu.memory_space<vmem>>, vector<16xi32>,
    %get3A_254 = arith.constant 3 : i32
    %get3A_255 = arith.index_cast %get3A_254 : i32 to index
    %get3A_256 = arith.constant 64 : index
    %get3A_257 = tpu.vector_load %arg16[%get3A_255, %get3A_256] {strides = array<i32>} : memref<4x128xi32, #tpu.memory_space<vmem>>, vector<16xi32>,
    %get3A_258 = arith.constant 64 : index
    %get3A_259 = tpu.vector_load %arg20[%get3A_258] {strides = array<i32>} : memref<128xf32, #tpu.memory_space<vmem>>, vector<16xf32>,
    %get3A_260 = arith.constant 64 : index
    %get3A_261 = tpu.vector_load %arg21[%get3A_260] {strides = array<i32>} : memref<128xf32, #tpu.memory_space<vmem>>, vector<16xf32>,
    %add3A_262 = arith.addf %get3A_259, %get3A_261 : vector<16xf32>
    %gather3A_263 = tpu.vector_load_idx %arg22[%get3A_253] : memref<10xf32, #tpu.memory_space<vmem>>[vector<16xi32>], vector<16xf32>,
    %add3A_264 = arith.addf %add3A_262, %gather3A_263 : vector<16xf32>
    %gather3A_265 = tpu.vector_load_idx %arg23[%get3A_257] : memref<1000xf32, #tpu.memory_space<vmem>>[vector<16xi32>], vector<16xf32>,
    %add3A_266 = arith.addf %add3A_264, %gather3A_265 : vector<16xf32>
    %get3A_267 = arith.constant 64 : index
    %get3A_268 = tpu.vector_load %arg25[%get3A_267] {strides = array<i32>} : memref<128xf32, #tpu.memory_space<vmem>>, vector<16xf32>,
    %add3A_269 = arith.addf %get3A_268, %add3A_266 : vector<16xf32>
    %add3A_270 = vector.broadcast %squeeze3A : f32 to vector<16xf32>
    %add3A_271 = arith.addf %add3A_269, %add3A_270 : vector<16xf32>
    %swap3A_272 = arith.constant 64 : index
    %swap3A_273 = tpu.vector_load %arg25[%swap3A_272] {strides = array<i32>} : memref<128xf32, #tpu.memory_space<vmem>>, vector<16xf32>,
    tpu.vector_store %arg25[%swap3A_272], %add3A_271 {strides = array<i32>} : memref<128xf32, #tpu.memory_space<vmem>>, vector<16xf32>,
    %get3A_274 = arith.constant 2 : i32
    %get3A_275 = arith.index_cast %get3A_274 : i32 to index
    %get3A_276 = arith.constant 80 : index
    %get3A_277 = tpu.vector_load %arg16[%get3A_275, %get3A_276] {strides = array<i32>} : memref<4x128xi32, #tpu.memory_space<vmem>>, vector<16xi32>,
    %get3A_278 = arith.constant 3 : i32
    %get3A_279 = arith.index_cast %get3A_278 : i32 to index
    %get3A_280 = arith.constant 80 : index
    %get3A_281 = tpu.vector_load %arg16[%get3A_279, %get3A_280] {strides = array<i32>} : memref<4x128xi32, #tpu.memory_space<vmem>>, vector<16xi32>,
    %get3A_282 = arith.constant 80 : index
    %get3A_283 = tpu.vector_load %arg20[%get3A_282] {strides = array<i32>} : memref<128xf32, #tpu.memory_space<vmem>>, vector<16xf32>,
    %get3A_284 = arith.constant 80 : index
    %get3A_285 = tpu.vector_load %arg21[%get3A_284] {strides = array<i32>} : memref<128xf32, #tpu.memory_space<vmem>>, vector<16xf32>,
    %add3A_286 = arith.addf %get3A_283, %get3A_285 : vector<16xf32>
    %gather3A_287 = tpu.vector_load_idx %arg22[%get3A_277] : memref<10xf32, #tpu.memory_space<vmem>>[vector<16xi32>], vector<16xf32>,
    %add3A_288 = arith.addf %add3A_286, %gather3A_287 : vector<16xf32>
    %gather3A_289 = tpu.vector_load_idx %arg23[%get3A_281] : memref<1000xf32, #tpu.memory_space<vmem>>[vector<16xi32>], vector<16xf32>,
    %add3A_290 = arith.addf %add3A_288, %gather3A_289 : vector<16xf32>
    %get3A_291 = arith.constant 80 : index
    %get3A_292 = tpu.vector_load %arg25[%get3A_291] {strides = array<i32>} : memref<128xf32, #tpu.memory_space<vmem>>, vector<16xf32>,
    %add3A_293 = arith.addf %get3A_292, %add3A_290 : vector<16xf32>
    %add3A_294 = vector.broadcast %squeeze3A : f32 to vector<16xf32>
    %add3A_295 = arith.addf %add3A_293, %add3A_294 : vector<16xf32>
    %swap3A_296 = arith.constant 80 : index
    %swap3A_297 = tpu.vector_load %arg25[%swap3A_296] {strides = array<i32>} : memref<128xf32, #tpu.memory_space<vmem>>, vector<16xf32>,
    tpu.vector_store %arg25[%swap3A_296], %add3A_295 {strides = array<i32>} : memref<128xf32, #tpu.memory_space<vmem>>, vector<16xf32>,
    %get3A_298 = arith.constant 2 : i32
    %get3A_299 = arith.index_cast %get3A_298 : i32 to index
    %get3A_300 = arith.constant 96 : index
    %get3A_301 = tpu.vector_load %arg16[%get3A_299, %get3A_300] {strides = array<i32>} : memref<4x128xi32, #tpu.memory_space<vmem>>, vector<16xi32>,
    %get3A_302 = arith.constant 3 : i32
    %get3A_303 = arith.index_cast %get3A_302 : i32 to index
    %get3A_304 = arith.constant 96 : index
    %get3A_305 = tpu.vector_load %arg16[%get3A_303, %get3A_304] {strides = array<i32>} : memref<4x128xi32, #tpu.memory_space<vmem>>, vector<16xi32>,
    %get3A_306 = arith.constant 96 : index
    %get3A_307 = tpu.vector_load %arg20[%get3A_306] {strides = array<i32>} : memref<128xf32, #tpu.memory_space<vmem>>, vector<16xf32>,
    %get3A_308 = arith.constant 96 : index
    %get3A_309 = tpu.vector_load %arg21[%get3A_308] {strides = array<i32>} : memref<128xf32, #tpu.memory_space<vmem>>, vector<16xf32>,
    %add3A_310 = arith.addf %get3A_307, %get3A_309 : vector<16xf32>
    %gather3A_311 = tpu.vector_load_idx %arg22[%get3A_301] : memref<10xf32, #tpu.memory_space<vmem>>[vector<16xi32>], vector<16xf32>,
    %add3A_312 = arith.addf %add3A_310, %gather3A_311 : vector<16xf32>
    %gather3A_313 = tpu.vector_load_idx %arg23[%get3A_305] : memref<1000xf32, #tpu.memory_space<vmem>>[vector<16xi32>], vector<16xf32>,
    %add3A_314 = arith.addf %add3A_312, %gather3A_313 : vector<16xf32>
    %get3A_315 = arith.constant 96 : index
    %get3A_316 = tpu.vector_load %arg25[%get3A_315] {strides = array<i32>} : memref<128xf32, #tpu.memory_space<vmem>>, vector<16xf32>,
    %add3A_317 = arith.addf %get3A_316, %add3A_314 : vector<16xf32>
    %add3A_318 = vector.broadcast %squeeze3A : f32 to vector<16xf32>
    %add3A_319 = arith.addf %add3A_317, %add3A_318 : vector<16xf32>
    %swap3A_320 = arith.constant 96 : index
    %swap3A_321 = tpu.vector_load %arg25[%swap3A_320] {strides = array<i32>} : memref<128xf32, #tpu.memory_space<vmem>>, vector<16xf32>,
    tpu.vector_store %arg25[%swap3A_320], %add3A_319 {strides = array<i32>} : memref<128xf32, #tpu.memory_space<vmem>>, vector<16xf32>,
    %get3A_322 = arith.constant 2 : i32
    %get3A_323 = arith.index_cast %get3A_322 : i32 to index
    %get3A_324 = arith.constant 112 : index
    %get3A_325 = tpu.vector_load %arg16[%get3A_323, %get3A_324] {strides = array<i32>} : memref<4x128xi32, #tpu.memory_space<vmem>>, vector<16xi32>,
    %get3A_326 = arith.constant 3 : i32
    %get3A_327 = arith.index_cast %get3A_326 : i32 to index
    %get3A_328 = arith.constant 112 : index
    %get3A_329 = tpu.vector_load %arg16[%get3A_327, %get3A_328] {strides = array<i32>} : memref<4x128xi32, #tpu.memory_space<vmem>>, vector<16xi32>,
    %get3A_330 = arith.constant 112 : index
    %get3A_331 = tpu.vector_load %arg20[%get3A_330] {strides = array<i32>} : memref<128xf32, #tpu.memory_space<vmem>>, vector<16xf32>,
    %get3A_332 = arith.constant 112 : index
    %get3A_333 = tpu.vector_load %arg21[%get3A_332] {strides = array<i32>} : memref<128xf32, #tpu.memory_space<vmem>>, vector<16xf32>,
    %add3A_334 = arith.addf %get3A_331, %get3A_333 : vector<16xf32>
    %gather3A_335 = tpu.vector_load_idx %arg22[%get3A_325] : memref<10xf32, #tpu.memory_space<vmem>>[vector<16xi32>], vector<16xf32>,
    %add3A_336 = arith.addf %add3A_334, %gather3A_335 : vector<16xf32>
    %gather3A_337 = tpu.vector_load_idx %arg23[%get3A_329] : memref<1000xf32, #tpu.memory_space<vmem>>[vector<16xi32>], vector<16xf32>,
    %add3A_338 = arith.addf %add3A_336, %gather3A_337 : vector<16xf32>
    %get3A_339 = arith.constant 112 : index
    %get3A_340 = tpu.vector_load %arg25[%get3A_339] {strides = array<i32>} : memref<128xf32, #tpu.memory_space<vmem>>, vector<16xf32>,
    %add3A_341 = arith.addf %get3A_340, %add3A_338 : vector<16xf32>
    %add3A_342 = vector.broadcast %squeeze3A : f32 to vector<16xf32>
    %add3A_343 = arith.addf %add3A_341, %add3A_342 : vector<16xf32>
    %swap3A_344 = arith.constant 112 : index
    %swap3A_345 = tpu.vector_load %arg25[%swap3A_344] {strides = array<i32>} : memref<128xf32, #tpu.memory_space<vmem>>, vector<16xf32>,
    tpu.vector_store %arg25[%swap3A_344], %add3A_343 {strides = array<i32>} : memref<128xf32, #tpu.memory_space<vmem>>, vector<16xf32>,
    "tpu.region"() ({
      %run_scoped3A = tpu.sem_alloc : memref<!tpu.dma_semaphore, #tpu.memory_space<semaphore_mem>>
      %dma_start3A_346 = tpu.memref_slice %arg15[%mul3A_2] : memref<4096xf32, #tpu.memory_space<hbm>> -> memref<128xf32, #tpu.memory_space<hbm>>
      %dma_start3A_347 = tpu.memref_slice %arg15[%mul3A_2] : memref<4096xf32, #tpu.memory_space<hbm>> -> memref<128xf32, #tpu.memory_space<hbm>>
      tpu.enqueue_dma source(%arg25 : memref<128xf32, #tpu.memory_space<vmem>>) target(%dma_start3A_347 : memref<128xf32, #tpu.memory_space<hbm>>) target_semaphore(%run_scoped3A : memref<!tpu.dma_semaphore, #tpu.memory_space<semaphore_mem>>)
      %dma_wait3A_348 = tpu.memref_slice %arg15[%mul3A_2] : memref<4096xf32, #tpu.memory_space<hbm>> -> memref<128xf32, #tpu.memory_space<hbm>>
      %dma_wait3A_349 = tpu.memref_slice %arg15[%mul3A_2] : memref<4096xf32, #tpu.memory_space<hbm>> -> memref<128xf32, #tpu.memory_space<hbm>>
      tpu.wait_dma2 semaphore(%run_scoped3A : memref<!tpu.dma_semaphore, #tpu.memory_space<semaphore_mem>>) src(%arg25 : memref<128xf32, #tpu.memory_space<vmem>>) dst(%dma_wait3A_349 : memref<128xf32, #tpu.memory_space<hbm>>)
      tpu.yield
    }) : () -> ()
    return
  }
}

</mosaic_0001>

<sc_bundles>
// kernel: _fm_call.3.cloned.1.call-start
scs
__scs_entry_jumppad:
0x0: {  	(pc) =	sbr.rel $0x88, $3  }
0x1: {  	(tag) =	ssettag $0x0;
	lr =	simm.s32 $0x1  }
0x2: {  	[smem:$0x3F94] =	sst lr;
	_ =	strace $0xD0000000  }
0x3: {  	_ = 	snop  }
0x4: {  	_ = 	snop  }
0x5: {  	_ = 	snop  }
0x6: {  	_ = 	snop  }
0x7: {  	_ = 	snop  }
__scs_overlays_trampoline_lowered:
0x8: {  	[smem:$0x3FA3] =	sst s0  }
0x9: {  	[smem:$0x3FA4] =	sst s1  }
0xa: {  	[smem:$0x3FA5] =	sst s2  }
0xb: {  	[smem:$0x3FA6] =	sst s3  }
0xc: {  	[smem:$0x3FA7] =	sst s4  }
0xd: {  	[smem:$0x3FA8] =	sst s5  }
0xe: {  	[smem:$0x3FA9] =	sst s6  }
0xf: {  	[smem:$0x3FAA] =	sst s7  }
0x10: {  	[smem:$0x3FAB] =	sst s8  }
0x11: {  	[smem:$0x3FAC] =	sst s9;
	s0 =	simm.s32 @!p0 $0x0  }
0x12: {  	s1 =	sld [smem:$0x3F92];
	s0 =	simm.s32 @p0 $0x1  }
0x13: {  	[smem:$0x3FAD] =	sst s0;
	s0 =	simm.s32 @!p1 $0x0  }
0x14: {  	s2 =	sld [smem:$0x3F91];
	s0 =	simm.s32 @p1 $0x1  }
0x15: {  	[smem:$0x3FAE] =	sst s0;
	s0 =	simm.s32 @!p2 $0x0  }
0x16: {  	s3 =	sld [smem:$0x3FDB];
	s0 =	simm.s32 @p2 $0x1  }
0x17: {  	s4 =	simm.s32 $0x1BF5;
	[smem:$0x3FB0] =	sst s0  }
0x18: {  	s0 =	sld [smem:$0x3F93];
	_ =	swait.ge [sflag:s4], $0x0  }
0x19: {  	s7 =	sld [smem:$0x3F94]  }
0x1a: {  	s8 =	sadd.s32 $0xFFFFE003, lr  }
0x1b: {  	s9 =	sadd.s32 $0xFFFFFEF7, lr;
	s5 =	simm.s32 $0xFFFFFFFF;
	p2 =	slt.u32 s8, $0xFFFFF086  }
0x1c: {  	p1 =	slt.u32 s9, $0xF7A;
	s5 =	simm.s32 @!p2 $0x0  }
0x1d: {  	s5 =	simm.s32 @p1 $0x1;
	p0 =	seq.s32 s7, s2  }
0x1e: {  	s7 =	smul.u32 @!p0 $0xF7A, s2;
	p2 =	seq.s32 @!p0 s5, $0x0  }
0x1f: {  	s9 =	smul.u32 $0xF7A, s1;
	s8 =	simm.s32 @!p0 $0x1BF5;
	p2 =	por !p2, p0  }
0x20: {  	[sflag:s8] =	ssyncset.s32 @!p0 $0xFFFFF086;
	s6 =	sadd.s32 @!p0 s3, s7;
	s7 =	simm.s32 @!p0 $0x108  }
0x21: {  	s3 =	sadd.s32 s3, s9;
	s6 =	sadd.s32 @!p0 $0x88, s6;
	s7 =	simm.s32 @p2 $0x1082  }
0x22: {  	[simem:s7], [sflag:s8] =	dma.local @!p0 [hbm:s6], $0xF7A  }
0x23: {  	s9 =	sor.u32 $0xD0000000, s2;
	s6 =	simm.s32 $0x108;
	_ =	swait.ge @!p0 [sflag:s8], $0x0  }
0x24: {  	s3 =	sadd.s32 $0x88, s3;
	s6 =	simm.s32 @!p1 $0x1082;
	[sflag:s4] =	ssyncset.s32 $0xFFFFF086  }
0x25: {  	[simem:s6], [sflag:s4] =	dma.local [hbm:s3], $0xF7A  }
0x26: {  	[smem:$0x3F94] =	sst s1;
	(tag) =	ssettag s2;
	_ =	strace s9  }
0x27: {  	s1 =	sld [smem:$0x3FA4]  }
0x28: {  	s2 =	sld [smem:$0x3FA5]  }
0x29: {  	s4 =	sld [smem:$0x3FA7]  }
0x2a: {  	p0 =	seq.s32 s5, $0x0;
	s5 =	sld [smem:$0x3FA8]  }
0x2b: {  	s6 =	sld [smem:$0x3FA9]  }
0x2c: {  	s7 =	sld [smem:$0x3FAA]  }
0x2d: {  	s3 =	simm.s32 $0x108;
	s8 =	sld [smem:$0x3FAB]  }
0x2e: {  	s3 =	simm.s32 @!p0 $0x1082;
	s9 =	sld [smem:$0x3FAC]  }
0x2f: {  	lr =	sadd.s32 s0, s3;
	s0 =	sld [smem:$0x3FA3]  }
0x30: {  	s3 =	sld [smem:$0x3FA6]  }
0x31: {  	[smem:$0x3FAF] =	sst s10  }
0x32: {  	s10 =	sld [smem:$0x3FAD];
	_ =	sdelay $0x3  }
0x33: {  	p0 =	seq.s32 s10, $0x1;
	s10 =	sld [smem:$0x3FAF];
	_ =	sdelay $0x3  }
0x34: {  	[smem:$0x3FAF] =	sst s10  }
0x35: {  	s10 =	sld [smem:$0x3FAE];
	_ =	sdelay $0x3  }
0x36: {  	p1 =	seq.s32 s10, $0x1;
	s10 =	sld [smem:$0x3FAF];
	_ =	sdelay $0x3  }
0x37: {  	[smem:$0x3FAF] =	sst s10  }
0x38: {  	s10 =	sld [smem:$0x3FB0]  }
0x39: {  	_ = 	snop;
	(pc) =	sbr.ind lr, $3  }
0x3a: {  	_ = 	snop  }
0x3b: {  	_ = 	snop  }
0x3c: {  	p2 =	seq.s32 s10, $0x1;
	s10 =	sld [smem:$0x3FAF]  }
0x3d: {  	_ =	shalt  }
0x3e: {  	_ =	shalt  }
0x3f: {  	_ =	shalt  }
0x40: {  	_ =	shalt  }
0x41: {  	_ =	shalt  }
0x42: {  	_ =	shalt  }
0x43: {  	_ =	shalt  }
0x44: {  	_ =	shalt  }
0x45: {  	_ =	shalt  }
0x46: {  	_ =	shalt  }
0x47: {  	_ =	shalt  }
0x48: {  	_ =	shalt  }
0x49: {  	_ =	shalt  }
0x4a: {  	_ =	shalt  }
0x4b: {  	_ =	shalt  }
0x4c: {  	_ =	shalt  }
0x4d: {  	_ =	shalt  }
0x4e: {  	_ =	shalt  }
0x4f: {  	_ =	shalt  }
0x50: {  	_ =	shalt  }
0x51: {  	_ =	shalt  }
0x52: {  	_ =	shalt  }
0x53: {  	_ =	shalt  }
0x54: {  	_ =	shalt  }
0x55: {  	_ =	shalt  }
0x56: {  	_ =	shalt  }
0x57: {  	_ =	shalt  }
0x58: {  	_ =	shalt  }
0x59: {  	_ =	shalt  }
0x5a: {  	_ =	shalt  }
0x5b: {  	_ =	shalt  }
0x5c: {  	_ =	shalt  }
0x5d: {  	_ =	shalt  }
0x5e: {  	_ =	shalt  }
0x5f: {  	_ =	shalt  }
0x60: {  	_ =	shalt  }
0x61: {  	_ =	shalt  }
0x62: {  	_ =	shalt  }
0x63: {  	_ =	shalt  }
0x64: {  	_ =	shalt  }
0x65: {  	_ =	shalt  }
0x66: {  	_ =	shalt  }
0x67: {  	_ =	shalt  }
0x68: {  	_ =	shalt  }
0x69: {  	_ =	shalt  }
0x6a: {  	_ =	shalt  }
0x6b: {  	_ =	shalt  }
0x6c: {  	_ =	shalt  }
0x6d: {  	_ =	shalt  }
0x6e: {  	_ =	shalt  }
0x6f: {  	_ =	shalt  }
0x70: {  	_ =	shalt  }
0x71: {  	_ =	shalt  }
0x72: {  	_ =	shalt  }
0x73: {  	_ =	shalt  }
0x74: {  	_ =	shalt  }
0x75: {  	_ =	shalt  }
0x76: {  	_ =	shalt  }
0x77: {  	_ =	shalt  }
0x78: {  	_ =	shalt  }
0x79: {  	_ =	shalt  }
0x7a: {  	_ =	shalt  }
0x7b: {  	_ =	shalt  }
0x7c: {  	_ =	shalt  }
0x7d: {  	_ =	shalt  }
0x7e: {  	_ =	shalt  }
0x7f: {  	_ =	shalt  }
0x80: {  	_ =	shalt  }
0x81: {  	_ =	shalt  }
0x82: {  	_ =	shalt  }
0x83: {  	_ =	shalt  }
0x84: {  	_ =	shalt  }
0x85: {  	_ =	shalt  }
0x86: {  	_ =	shalt  }
0x87: {  	_ =	shalt  }
.Lfunc_end0:
.L_simem_size_0:
called_computation_lowered:
.L_overlay_start_0:
0x88: {  	s2 =	sld [smem:$0x3FD9]  }
0x89: {  	s3 =	sld [smem:$0x3FFE];
	_ =	sdelay $0x1  }
0x8a: {  	s1 =	srdreg.scid  }
0x8b: {  	s0 =	sand.u32 $0x1, s1  }
0x8c: {  	s25 =	sshll.u32 s0, $0xA;
	s2 =	sadd.s32 s3, s2  }
0x8d: {  	s2 =	sadd.s32 s2, s25  }
0x8e: {  	[smem:$0x3FBB] =	sst s2  }
0x8f: {  	_ = 	snop  }
0x90: {  	s2 =	sld [smem:$0x3FC9]  }
0x91: {  	s3 =	sld [smem:$0x3FC8]  }
0x92: {  	s4 =	sld [smem:$0x3FC7]  }
0x93: {  	s5 =	sld [smem:$0x3FC6]  }
0x94: {  	s6 =	sld [smem:$0x3FC5]  }
0x95: {  	s7 =	sld [smem:$0x3FC4]  }
0x96: {  	s8 =	sld [smem:$0x3FC3]  }
0x97: {  	s9 =	sld [smem:$0x3FC2]  }
0x98: {  	s10 =	sld [smem:$0x3FC1]  }
0x99: {  	s11 =	sld [smem:$0x3FC0]  }
0x9a: {  	s12 =	sld [smem:$0x3FBF]  }
0x9b: {  	s13 =	sld [smem:$0x3FBE]  }
0x9c: {  	s14 =	sld [smem:$0x3FBD]  }
0x9d: {  	s15 =	sld [smem:$0x3FD0];
	(tm) =	ssettm $0x1  }
0x9e: {  	s16 =	sld [smem:$0x3FFB];
	_ =	sdelay $0x3  }
0x9f: {  	_ =	strace s16  }
0xa0: {  	s16 =	sld [smem:$0x3FFC];
	_ =	sdelay $0x3  }
0xa1: {  	_ =	strace s16  }
0xa2: {  	s16 =	sld [smem:$0x3FFD];
	_ =	sdelay $0x3  }
0xa3: {  	_ =	strace s16  }
0xa4: {  	_ =	strace $0x8FFFFFFF  }
0xa5: {  	s26 =	sld [smem:$0x3FDB];
	_ =	sdelay $0x1  }
0xa6: {  	s17 =	simm.s32 $_scs_section_size  }
0xa7: {  	s18 =	simm.s32 $_size__tile_task_arg_handler_lowered;
	s19 =	simm.s32 $_tile_task_arg_handler_lowered  }
0xa8: {  	s30 =	simm.s32 $0x1BFF;
	s29 =	sshll.u32 s19, $0x1;
	s17 =	sadd.s32 s17, s26  }
0xa9: {  	s20 =	simm.s32 $0x60;
	s28 =	sshll.u32 s18, $0x1;
	s18 =	sadd.s32 s29, s17  }
0xaa: {  	[timem:s20], [sflag:s30] =	dma.local [hbm:s18], s28  }
0xab: {  	_ =	swait.ge [sflag:s30], s28  }
0xac: {  	s31 =	simm.s32 $_tile_overlayer_lowered;
	s16 =	ssub.s32 $0x0, s28;
	[sflag:s30] =	ssyncset.done $0x0  }
0xad: {  	s20 =	simm.s32 $_size__tile_overlayer_lowered;
	s18 =	sshll.u32 s31, $0x1;
	[sflag:s30] =	ssyncadd.s32 s16  }
0xae: {  	s22 =	simm.s32 $0x0;
	s21 =	sshll.u32 s20, $0x1;
	s18 =	sadd.s32 s18, s17  }
0xaf: {  	[timem:s22], [sflag:s30] =	dma.local [hbm:s18], s21  }
0xb0: {  	_ =	swait.ge [sflag:s30], s21  }
0xb1: {  	s23 =	ssub.s32 $0x0, s21;
	[sflag:s30] =	ssyncset.done $0x0  }
0xb2: {  	[sflag:s30] =	ssyncadd.s32 s23;
	_ =	sdelay $0x1  }
0xb3: {  	s24 =	simm.s32 $0x1B8B  }
0xb4: {  	_ =	swait.ge [sflag:s24], $0x1  }
0xb5: {  	[sflag:s24] =	ssyncset.done $0x0  }
0xb6: {  	s25 =	simm.s32 $0x1B8E;
	[sflag:s24] =	ssyncadd.s32 $0xFFFFFFFF  }
0xb7: {  	s26 =	simm.s32 $execute0_lowered;
	[smem:$0x3FD2] =	sst s25  }
0xb8: {  	s18 =	sshll.u32 s26, $0x1;
	_ =	strace $0x80000046;
	[dreg:$0x1] =	wrdreg $0xFFFFFFFF  }
0xb9: {  	s28 =	simm.s32 $_size_execute0_lowered;
	s17 =	sadd.s32 s17, s18;
	[dreg:$0x0] =	wrdreg $0x0  }
0xba: {  	s18 =	sshll.u32 s28, $0x1;
	[dreg:$0x2] =	wrdreg s17  }
0xbb: {  	[dreg:$0x3] =	wrdreg s18  }
0xbc: {  	[dreg:$0x4] =	wrdreg $0xC0  }
0xbd: {  	_ =	task [dreg:s22], $0x5FFFF  }
0xbe: {  	[dreg:$0x1] =	wrdreg $0xFFFFFFFF  }
0xbf: {  	[dreg:$0x0] =	wrdreg $0x30  }
0xc0: {  	[dreg:$0x2] =	wrdreg $0x0  }
0xc1: {  	[dreg:$0x3] =	wrdreg $0x9  }
0xc2: {  	_ =	task [dreg:s22], $0x4FFFF  }
0xc3: {  	[dreg:$0x1] =	wrdreg $0xFFFFFFFF  }
0xc4: {  	[dreg:$0x0] =	wrdreg $0x60  }
0xc5: {  	[dreg:$0x2] =	wrdreg s2  }
0xc6: {  	[dreg:$0x3] =	wrdreg s3  }
0xc7: {  	[dreg:$0x4] =	wrdreg s4  }
0xc8: {  	[dreg:$0x5] =	wrdreg s5  }
0xc9: {  	[dreg:$0x6] =	wrdreg s6  }
0xca: {  	[dreg:$0x7] =	wrdreg s7  }
0xcb: {  	[dreg:$0x8] =	wrdreg s8  }
0xcc: {  	[dreg:$0x9] =	wrdreg s9  }
0xcd: {  	[dreg:$0xa] =	wrdreg s10  }
0xce: {  	[dreg:$0xb] =	wrdreg s11  }
0xcf: {  	[dreg:$0xc] =	wrdreg s12  }
0xd0: {  	[dreg:$0xd] =	wrdreg s13  }
0xd1: {  	[dreg:$0xe] =	wrdreg s14  }
0xd2: {  	[dreg:$0xf] =	wrdreg s15  }
0xd3: {  	_ =	task.clear_ibuf [dreg:s22], $0x10FFFF;
	_ =	strace $0x90000046  }
0xd4: {  	s29 =	simm.s32 $0x9;
	_ =	strace $0x80000048  }
0xd5: {  	_ =	swait.ge [sflag:s29], $0x1  }
0xd6: {  	[sflag:s29] =	ssyncadd.s32 $0xFFFFFFFF  }
0xd7: {  	_ =	strace $0x90000048  }
0xd8: {  	_ =	sfence  }
0xd9: {  	s30 =	sld [smem:$0x0];
	_ =	sdelay $0x2  }
0xda: {  	s31 =	sshll.u32 s1, $0xD;
	s1 =	sshrl.u32 s1, $0x2  }
0xdb: {  	s3 =	sand.u32 $0x4000, s31;
	s1 =	sadd.s32 s1, s30  }
0xdc: {  	s0 =	sor.u32 s3, s0;
	s1 =	sshll.u32 s1, $0x11  }
0xdd: {  	s0 =	sor.u32 s1, s0  }
0xde: {  	s0 =	sadd.s32 $0x8F2B, s0  }
0xdf: {  	[sflag:s0] =	ssyncadd.remote.s32 $0x1  }
0xe0: {  	_ =	sfence.sel $0xFFFF  }
0xe1: {  	[dreg:$0x0] =	wrdreg $0xFFFFFFFF;
	(pc) =	sbr.abs _section_cstart, $3  }
0xe2: {  	[dreg:$0x1] =	wrdreg $0xFFFFFFFF  }
0xe3: {  	_ =	task.clear_ibuf [dreg:s22], $0x2FFFF;
	_ =	strace $0x9FFFFFFF  }
0xe4: {  	(tm) =	ssettm $0x7FFFFFFF  }
0xe5: {  	_ =	shalt  }
tec
_tile_task_arg_handler_lowered:
.L_overlay_start_1:
0x0: {  	(tag) =	ssettag $0x1  }
0x1: {  	s0 =	rddreg [dreg:$0x0]  }
0x2: {  	s1 =	rddreg [dreg:$0x1]  }
0x3: {  	s2 =	rddreg [dreg:$0x2]  }
0x4: {  	s3 =	rddreg [dreg:$0x3]  }
0x5: {  	s4 =	rddreg [dreg:$0x4]  }
0x6: {  	s5 =	rddreg [dreg:$0x5]  }
0x7: {  	s6 =	rddreg [dreg:$0x6]  }
0x8: {  	s7 =	rddreg [dreg:$0x7]  }
0x9: {  	s8 =	rddreg [dreg:$0x8]  }
0xa: {  	s9 =	rddreg [dreg:$0x9]  }
0xb: {  	s10 =	rddreg [dreg:$0xa]  }
0xc: {  	s11 =	rddreg [dreg:$0xb]  }
0xd: {  	s12 =	rddreg [dreg:$0xc]  }
0xe: {  	s13 =	rddreg [dreg:$0xd]  }
0xf: {  	[smem:s0] =	sst s1  }
0x10: {  	[smem:s0+$0x1] =	sst s2  }
0x11: {  	[smem:s0+$0x2] =	sst s3  }
0x12: {  	[smem:s0+$0x3] =	sst s4  }
0x13: {  	[smem:s0+$0x4] =	sst s5  }
0x14: {  	[smem:s0+$0x5] =	sst s6  }
0x15: {  	[smem:s0+$0x6] =	sst s7  }
0x16: {  	[smem:s0+$0x7] =	sst s8  }
0x17: {  	[smem:s0+$0x8] =	sst s9  }
0x18: {  	[smem:s0+$0x9] =	sst s10  }
0x19: {  	[smem:s0+$0xA] =	sst s11  }
0x1a: {  	[smem:s0+$0xB] =	sst s12  }
0x1b: {  	[smem:s0+$0xC] =	sst s13;
	_ =	shalt  }
.Lfunc_end2:
execute0_lowered:
.L_overlay_start_2:
0x1c: {  	(tag) =	ssettag $0x2  }
0x1d: {  	s0 =	rddreg [dreg:$0x0]  }
0x1e: {  	s1 =	rddreg [dreg:$0x1]  }
0x1f: {  	s2 =	rddreg [dreg:$0x2]  }
0x20: {  	s3 =	rddreg [dreg:$0x3]  }
0x21: {  	s4 =	rddreg [dreg:$0xd]  }
0x22: {  	s10 =	simm.s32 $0x0;
	s5 =	srdreg.scid;
	s7 =	stileid.u32  }
0x23: {  	s18 =	simm.s32 $0x80;
	s19 =	simm.s32 $0x100;
	s20 =	simm.s32 $0x180  }
0x24: {  	s21 =	simm.s32 $0xC300;
	s22 =	simm.s32 $0xC380;
	s23 =	simm.s32 $0xC780  }
0x25: {  	s24 =	simm.s32 $0xD000;
	s25 =	simm.s32 $0x1;
	s26 =	simm.s32 $0x200  }
0x26: {  	s28 =	simm.s32 $0x4200;
	s29 =	simm.s32 $0x8200;
	s30 =	simm.s32 $0xC200  }
0x27: {  	s31 =	simm.s32 $0xC280;
	s11 =	simm.s32 $0x2;
	s5 =	sand.u32 $0x1, s5  }
0x28: {  	s7 =	sshll.u32 s7, $0x5;
	s6 =	ssub.s32 $0x2, s5;
	s5 =	sshll.u32 s5, $0x4  }
0x29: {  	[smem:$0x7FF] =	sst s10;
	s9 =	sshrl.u32 s6, $0x1;
	s5 =	sor.u32 s5, s7  }
0x2a: {  	s8 =	sld [smem:$0x0];
	s6 =	ssub.s32 s6, s9;
	s12 =	sadd.s32 s0, s5  }
0x2b: {  	v0 =	vlaneseq.u32;
	s13 =	sadd.s32 s2, s5;
	s14 =	sadd.s32 s1, s5;
	s15 =	sadd.s32 s3, s5  }
0x2c: {  	vm0 =	vcmask $0x3F3C;
	v1 =	vor.u32 $0x10, v0;
	s16 =	sadd.s32 s4, s5;
	s9 =	simm.s32 $0x3;
	s0 =	simm.s32 $0xCF80  }
0x2d: {  	v2 =	vor.u32 $0x20, v0;
	v3 =	vor.u32 $0x30, v0;
	v4 =	vor.u32 $0x40, v0;
	s1 =	simm.s32 $0x4;
	s2 =	simm.s32 $0x5;
	[dreg:$0xe] =	wrdreg s8  }
0x2e: {  	v5 =	vor.u32 $0x50, v0;
	v6 =	vor.u32 $0x60, v0;
	v7 =	vor.u32 $0x70, v0;
	s3 =	simm.s32 $0x0;
	s17 =	smax.u32 s6, $0x1;
	_ =	strace $0x80000047  }
.LBB3_1:
0x2f: {  	[tilespmem:s10], [sflag:$0x1] =	stream.linear.gather [hbm4b:s12+s10], $0x80, $0x38;
	[tilespmem:$0xD080] =	vst v63  }
0x30: {  	_ = 	snop  }
0x31: {  	[tilespmem:s18], [sflag:$0x1] =	stream.linear.gather [hbm4b:s13+s10], $0x80, $0x38;
	[tilespmem:$0xD080] =	vst v63  }
0x32: {  	_ = 	snop  }
0x33: {  	[tilespmem:s19], [sflag:$0x1] =	stream.linear.gather [hbm4b:s14+s10], $0x80, $0x38;
	[tilespmem:$0xD080] =	vst v63  }
0x34: {  	_ = 	snop  }
0x35: {  	[tilespmem:s20], [sflag:$0x1] =	stream.linear.gather [hbm4b:s15+s10], $0x80, $0x38;
	[tilespmem:$0xD080] =	vst v63  }
0x36: {  	s4 =	rddreg [dreg:$0x5]  }
0x37: {  	[tilespmem:s21], [sflag:$0x2] =	stream.linear.gather [hbm4b:s4+s10], $0x80, $0x38;
	[tilespmem:$0xD080] =	vst v63  }
0x38: {  	s5 =	rddreg [dreg:$0x7]  }
0x39: {  	[tilespmem:s22], [sflag:$0x2] =	stream.linear.gather [hbm4b:s5+s10], $0x400, $0x38;
	[tilespmem:$0xD080] =	vst v63  }
0x3a: {  	s6 =	rddreg [dreg:$0x9]  }
0x3b: {  	[tilespmem:s23], [sflag:$0x2] =	stream.linear.gather [hbm4b:s6+s10], $0x500, $0x38;
	[tilespmem:$0xD080] =	vst v63  }
0x3c: {  	s7 =	rddreg [dreg:$0xc]  }
0x3d: {  	[tilespmem:s24], [sflag:$0x2] =	stream.linear.gather [hbm4b:s7+s10], $0x1, $0x38;
	[tilespmem:$0xD080] =	vst v63  }
0x3e: {  	_ =	swait.ge [sflag:s25], $0x80  }
0x3f: {  	[sflag:s25] =	ssyncset.done $0x0  }
0x40: {  	[sflag:s25] =	ssyncadd.s32 $0xFFFFFF80  }
0x41: {  	_ =	swait.ge [sflag:s25], $0x80  }
0x42: {  	[sflag:s25] =	ssyncset.done $0x0  }
0x43: {  	[sflag:s25] =	ssyncadd.s32 $0xFFFFFF80  }
0x44: {  	_ =	swait.ge [sflag:s25], $0x80  }
0x45: {  	[sflag:s25] =	ssyncset.done $0x0  }
0x46: {  	[sflag:s25] =	ssyncadd.s32 $0xFFFFFF80  }
0x47: {  	_ =	swait.ge [sflag:s25], $0x80  }
0x48: {  	[sflag:s25] =	ssyncset.done $0x0  }
0x49: {  	[sflag:s25] =	ssyncadd.s32 $0xFFFFFF80  }
0x4a: {  	s8 =	rddreg [dreg:$0x8]  }
0x4b: {  	[tilespmem:s26], [sflag:$0x3] =	stream.indirect.gather [hbm4b:s8+s18], $0x80, s10, s18, $0xb8;
	[tilespmem:$0xD080] =	vst v63  }
0x4c: {  	s5 =	rddreg [dreg:$0xa]  }
0x4d: {  	[tilespmem:s28], [sflag:$0x3] =	stream.indirect.gather [hbm4b:s5+s18], $0x80, s18, s18, $0xb8;
	[tilespmem:$0xD080] =	vst v63  }
0x4e: {  	s6 =	rddreg [dreg:$0xb]  }
0x4f: {  	[tilespmem:s29], [sflag:$0x3] =	stream.indirect.gather [hbm4b:s6+s18], $0x80, s20, s18, $0xb8;
	[tilespmem:$0xD080] =	vst v63  }
0x50: {  	s7 =	rddreg [dreg:$0x4]  }
0x51: {  	[tilespmem:s30], [sflag:$0x4] =	stream.indirect.gather [hbm4b:s7+s18], $0x1, s10, s18, $0xb8;
	[tilespmem:$0xD080] =	vst v63  }
0x52: {  	s8 =	rddreg [dreg:$0x6]  }
0x53: {  	[tilespmem:s31], [sflag:$0x4] =	stream.indirect.gather [hbm4b:s8+s18], $0x1, s18, s18, $0xb8;
	[tilespmem:$0xD080] =	vst v63  }
0x54: {  	_ =	swait.ge [sflag:s9], $0x4000  }
0x55: {  	[sflag:s9] =	ssyncset.done $0x0  }
0x56: {  	[sflag:s9] =	ssyncadd.s32 $0xFFFFC000  }
0x57: {  	_ =	swait.ge [sflag:s9], $0x4000  }
0x58: {  	[sflag:s9] =	ssyncset.done $0x0  }
0x59: {  	[sflag:s9] =	ssyncadd.s32 $0xFFFFC000  }
0x5a: {  	_ =	swait.ge [sflag:s9], $0x4000  }
0x5b: {  	[sflag:s9] =	ssyncset.done $0x0  }
0x5c: {  	[sflag:s9] =	ssyncadd.s32 $0xFFFFC000  }
0x5d: {  	_ =	swait.ge [sflag:s11], $0x80  }
0x5e: {  	[sflag:s11] =	ssyncset.done $0x0  }
0x5f: {  	[sflag:s11] =	ssyncadd.s32 $0xFFFFFF80  }
0x60: {  	_ =	swait.ge [sflag:s11], $0x400  }
0x61: {  	[sflag:s11] =	ssyncset.done $0x0  }
0x62: {  	[sflag:s11] =	ssyncadd.s32 $0xFFFFFC00  }
0x63: {  	_ =	swait.ge [sflag:s11], $0x500  }
0x64: {  	[sflag:s11] =	ssyncset.done $0x0  }
0x65: {  	[sflag:s11] =	ssyncadd.s32 $0xFFFFFB00  }
0x66: {  	_ =	swait.ge [sflag:s11], $0x1  }
0x67: {  	s4 =	simm.s32 $0x4300;
	s5 =	simm.s32 $0x8300;
	[sflag:s11] =	ssyncset.done $0x0  }
0x68: {  	s6 =	simm.s32 $0x300;
	s7 =	simm.s32 $0x0;
	[sflag:s11] =	ssyncadd.s32 $0xFFFFFFFF  }
.LBB3_2:
0x69: {  	v12 =	vld [tilespmem:s6+$0xFFFFFF00]  }
0x6a: {  	v8 =	vmov s7;
	v13 =	vld [tilespmem:s4+$0xFFFFFF00]  }
0x6b: {  	v14 =	vld [tilespmem:s5+$0xFFFFFF00];
	v9 =	vor.u32 $0x100, v8  }
0x6c: {  	v16 =	vld [tilespmem:s6+$0xFFFFFF10]  }
0x6d: {  	v17 =	vld [tilespmem:s4+$0xFFFFFF10]  }
0x6e: {  	v18 =	vld [tilespmem:s5+$0xFFFFFF10]  }
0x6f: {  	v20 =	vld [tilespmem:s6+$0xFFFFFF20]  }
0x70: {  	v9 =	vld.idx.msk [tilespmem:v9+s10+$0x0], $0xffff  }
0x71: {  	v21 =	vld [tilespmem:s4+$0xFFFFFF20]  }
0x72: {  	v22 =	vld [tilespmem:s5+$0xFFFFFF20]  }
0x73: {  	v24 =	vld [tilespmem:s6+$0xFFFFFF30]  }
0x74: {  	v25 =	vld [tilespmem:s4+$0xFFFFFF30]  }
0x75: {  	v26 =	vld [tilespmem:s5+$0xFFFFFF30];
	v9 =	vshll.u32 v9, $0x7  }
0x76: {  	v28 =	vld [tilespmem:s6+$0xFFFFFF40];
	v10 =	vor.u32 v0, v9  }
0x77: {  	v29 =	vld [tilespmem:s4+$0xFFFFFF40]  }
0x78: {  	v54 =	vld [tilespmem:s5+$0xFFFFFF40];
	v11 =	vor.u32 v1, v9  }
0x79: {  	v57 =	vld [tilespmem:s6+$0xFFFFFF50]  }
0x7a: {  	v58 =	vld [tilespmem:s4+$0xFFFFFF50];
	v15 =	vor.u32 v2, v9  }
0x7b: {  	v10 =	vld.idx.msk [tilespmem:v10+s23+$0x0], $0xffff  }
0x7c: {  	v59 =	vld [tilespmem:s5+$0xFFFFFF50];
	v19 =	vor.u32 v3, v9  }
0x7d: {  	v11 =	vld.idx.msk [tilespmem:v11+s23+$0x0], $0xffff  }
0x7e: {  	v61 =	vld [tilespmem:s6+$0xFFFFFF60];
	v23 =	vor.u32 v4, v9  }
0x7f: {  	v27 =	vor.u32 v5, v9;
	v15 =	vld.idx.msk [tilespmem:v15+s23+$0x0], $0xffff  }
0x80: {  	v31 =	vld [tilespmem:s6+$0xFFFFFF70];
	v53 =	vadd.f32 v14, v13;
	v10 =	vadd.f32 v12, v10  }
0x81: {  	v56 =	vadd.f32 v18, v17;
	v19 =	vld.idx.msk [tilespmem:v19+s23+$0x0], $0xffff  }
0x82: {  	v32 =	vld [tilespmem:s4+$0xFFFFFF70];
	v55 =	vor.u32 v6, v9;
	v11 =	vadd.f32 v16, v11;
	v10 =	vmul.f32 v53, v10  }
0x83: {  	v60 =	vadd.f32 v22, v21;
	v9 =	vor.u32 v7, v9;
	v23 =	vld.idx.msk [tilespmem:v23+s23+$0x0], $0xffff  }
0x84: {  	v27 =	vld.idx.msk [tilespmem:v27+s23+$0x0], $0xffff;
	v15 =	vadd.f32 v20, v15;
	v11 =	vmul.f32 v56, v11;
	v10 =	vadd.f32 $0.0e+00, v10  }
0x85: {  	v63 =	vadd.f32 v26, v25;
	v25 =	vld [tilespmem:s5+$0xFFFFFF60]  }
0x86: {  	v62 =	vadd.f32 v24, v19;
	v24 =	vld [tilespmem:s4+$0xFFFFFF60];
	v15 =	vmul.f32 v60, v15;
	v10 =	vadd.f32 v11, v10  }
0x87: {  	v13 =	vadd.f32 v54, v29;
	v14 =	vld.idx.msk [tilespmem:v55+s23+$0x0], $0xffff  }
0x88: {  	v33 =	vld [tilespmem:s5+$0xFFFFFF70];
	v30 =	vadd.f32 v28, v23;
	v26 =	vmul.f32 v63, v62;
	v10 =	vadd.f32 v15, v10  }
0x89: {  	v9 =	vld.idx.msk [tilespmem:v9+s23+$0x0], $0xffff;
	v16 =	vadd.f32 v57, v27  }
0x8a: {  	v12 =	vadd.f32 v59, v58;
	v13 =	vmul.f32 v13, v30;
	v10 =	vadd.f32 v26, v10  }
0x8b: {  	v34 =	vadd.f32 v25, v24  }
0x8c: {  	v12 =	vmul.f32 v12, v16;
	v11 =	vadd.f32 v61, v14;
	v10 =	vadd.f32 v13, v10  }
0x8d: {  	v35 =	vadd.f32 v33, v32  }
0x8e: {  	v9 =	vadd.f32 v31, v9;
	v11 =	vmul.f32 v34, v11;
	v10 =	vadd.f32 v12, v10;
	_ =	sdelay $0x1  }
0x8f: {  	v9 =	vmul.f32 v35, v9;
	v10 =	vadd.f32 v11, v10;
	_ =	sdelay $0x1  }
0x90: {  	v9 =	vadd.f32 v9, v10;
	_ =	sdelay $0x1  }
0x91: {  	(xrf2) =	vadd.scan.msk.f32 $0xffff, v9;
	_ =	sdelay $0x4  }
0x92: {  	s8 =	sadd.s32 $0x1, s7  }
0x93: {  	v9 =	vmov s8  }
0x94: {  	v36 =	vor.u32 $0x100, v9;
	_ =	sdelay $0x2  }
0x95: {  	v37, _, _ =	vpop (xrf2)  }
0x96: {  	[tilespmem:v8+s0+$0x0] =	vst.idx.msk vm0, v37  }
0x97: {  	v8 =	vld.idx.msk [tilespmem:v36+s10+$0x0], $0xffff  }
0x98: {  	v40 =	vld [tilespmem:s6+$0xFFFFFF80]  }
0x99: {  	v41 =	vld [tilespmem:s4+$0xFFFFFF80]  }
0x9a: {  	v42 =	vld [tilespmem:s5+$0xFFFFFF80]  }
0x9b: {  	v44 =	vld [tilespmem:s6+$0xFFFFFF90]  }
0x9c: {  	v45 =	vld [tilespmem:s4+$0xFFFFFF90]  }
0x9d: {  	v46 =	vld [tilespmem:s5+$0xFFFFFF90]  }
0x9e: {  	v48 =	vld [tilespmem:s6+$0xFFFFFFA0]  }
0x9f: {  	v49 =	vld [tilespmem:s4+$0xFFFFFFA0]  }
0xa0: {  	v50 =	vld [tilespmem:s5+$0xFFFFFFA0]  }
0xa1: {  	v52 =	vld [tilespmem:s6+$0xFFFFFFB0]  }
0xa2: {  	v53 =	vld [tilespmem:s4+$0xFFFFFFB0]  }
0xa3: {  	v54 =	vld [tilespmem:s5+$0xFFFFFFB0];
	v8 =	vshll.u32 v8, $0x7  }
0xa4: {  	v56 =	vld [tilespmem:s6+$0xFFFFFFC0];
	v38 =	vor.u32 v0, v8  }
0xa5: {  	v57 =	vld [tilespmem:s4+$0xFFFFFFC0]  }
0xa6: {  	v59 =	vld [tilespmem:s5+$0xFFFFFFC0];
	v39 =	vor.u32 v1, v8  }
0xa7: {  	v62 =	vld [tilespmem:s6+$0xFFFFFFD0]  }
0xa8: {  	v63 =	vld [tilespmem:s4+$0xFFFFFFD0];
	v43 =	vor.u32 v2, v8  }
0xa9: {  	v10 =	vld.idx.msk [tilespmem:v38+s23+$0x0], $0xffff  }
0xaa: {  	v30 =	vld [tilespmem:s5+$0xFFFFFFD0];
	v47 =	vor.u32 v3, v8  }
0xab: {  	v11 =	vld.idx.msk [tilespmem:v39+s23+$0x0], $0xffff  }
0xac: {  	v32 =	vld [tilespmem:s6+$0xFFFFFFE0];
	v51 =	vor.u32 v4, v8  }
0xad: {  	v15 =	vld.idx.msk [tilespmem:v43+s23+$0x0], $0xffff  }
0xae: {  	v35 =	vld [tilespmem:s4+$0xFFFFFFE0];
	v58 =	vadd.f32 v42, v41;
	v55 =	vor.u32 v5, v8;
	v10 =	vadd.f32 v40, v10  }
0xaf: {  	v61 =	vadd.f32 v46, v45;
	v60 =	vor.u32 v6, v8;
	v19 =	vld.idx.msk [tilespmem:v47+s23+$0x0], $0xffff  }
0xb0: {  	v36 =	vld [tilespmem:s5+$0xFFFFFFE0];
	v8 =	vor.u32 v7, v8;
	v11 =	vadd.f32 v44, v11;
	v10 =	vmul.f32 v58, v10  }
0xb1: {  	v31 =	vadd.f32 v50, v49;
	v23 =	vld.idx.msk [tilespmem:v51+s23+$0x0], $0xffff  }
0xb2: {  	v41 =	vld [tilespmem:s5+$0xFFFFFFF0];
	v15 =	vadd.f32 v48, v15;
	v11 =	vmul.f32 v61, v11;
	v10 =	vadd.f32 $0.0e+00, v10  }
0xb3: {  	v34 =	vadd.f32 v54, v53;
	v27 =	vld.idx.msk [tilespmem:v55+s23+$0x0], $0xffff  }
0xb4: {  	v14 =	vld.idx.msk [tilespmem:v60+s23+$0x0], $0xffff;
	v33 =	vadd.f32 v52, v19;
	v15 =	vmul.f32 v31, v15;
	v10 =	vadd.f32 v11, v10  }
0xb5: {  	v13 =	vadd.f32 v59, v57;
	v8 =	vld.idx.msk [tilespmem:v8+s23+$0x0], $0xffff  }
0xb6: {  	v39 =	vld [tilespmem:s6+$0xFFFFFFF0];
	v38 =	vadd.f32 v56, v23;
	v37 =	vmul.f32 v34, v33;
	v10 =	vadd.f32 v15, v10  }
0xb7: {  	v12 =	vadd.f32 v30, v63;
	v40 =	vld [tilespmem:s4+$0xFFFFFFF0]  }
0xb8: {  	v16 =	vadd.f32 v62, v27;
	v13 =	vmul.f32 v13, v38;
	v10 =	vadd.f32 v37, v10  }
0xb9: {  	v42 =	vadd.f32 v36, v35  }
0xba: {  	v12 =	vmul.f32 v12, v16;
	v11 =	vadd.f32 v32, v14;
	v10 =	vadd.f32 v13, v10  }
0xbb: {  	v8 =	vadd.f32 v39, v8  }
0xbc: {  	v43 =	vadd.f32 v41, v40;
	v11 =	vmul.f32 v42, v11;
	v10 =	vadd.f32 v12, v10;
	_ =	sdelay $0x1  }
0xbd: {  	v8 =	vmul.f32 v43, v8;
	v10 =	vadd.f32 v11, v10;
	_ =	sdelay $0x1  }
0xbe: {  	v8 =	vadd.f32 v8, v10;
	_ =	sdelay $0x1  }
0xbf: {  	(xrf2) =	vadd.scan.msk.f32 $0xffff, v8;
	_ =	sdelay $0x4  }
0xc0: {  	s8 =	sadd.s32 $0x2, s7  }
0xc1: {  	v8 =	vmov s8  }
0xc2: {  	v44 =	vor.u32 $0x100, v8;
	_ =	sdelay $0x2  }
0xc3: {  	v45, _, _ =	vpop (xrf2)  }
0xc4: {  	[tilespmem:v9+s0+$0x0] =	vst.idx.msk vm0, v45  }
0xc5: {  	v9 =	vld.idx.msk [tilespmem:v44+s10+$0x0], $0xffff  }
0xc6: {  	v48 =	vld [tilespmem:s6+$0x0]  }
0xc7: {  	v49 =	vld [tilespmem:s4+$0x0]  }
0xc8: {  	v50 =	vld [tilespmem:s5+$0x0]  }
0xc9: {  	v52 =	vld [tilespmem:s6+$0x10]  }
0xca: {  	v53 =	vld [tilespmem:s4+$0x10]  }
0xcb: {  	v54 =	vld [tilespmem:s5+$0x10]  }
0xcc: {  	v56 =	vld [tilespmem:s6+$0x20]  }
0xcd: {  	v57 =	vld [tilespmem:s4+$0x20]  }
0xce: {  	v58 =	vld [tilespmem:s5+$0x20]  }
0xcf: {  	v60 =	vld [tilespmem:s6+$0x30]  }
0xd0: {  	v61 =	vld [tilespmem:s4+$0x30]  }
0xd1: {  	v62 =	vld [tilespmem:s5+$0x30];
	v9 =	vshll.u32 v9, $0x7  }
0xd2: {  	v32 =	vld [tilespmem:s6+$0x40];
	v46 =	vor.u32 v0, v9  }
0xd3: {  	v33 =	vld [tilespmem:s4+$0x40]  }
0xd4: {  	v35 =	vld [tilespmem:s5+$0x40];
	v47 =	vor.u32 v1, v9  }
0xd5: {  	v38 =	vld [tilespmem:s6+$0x50]  }
0xd6: {  	v39 =	vld [tilespmem:s4+$0x50];
	v51 =	vor.u32 v2, v9  }
0xd7: {  	v10 =	vld.idx.msk [tilespmem:v46+s23+$0x0], $0xffff  }
0xd8: {  	v40 =	vld [tilespmem:s5+$0x50];
	v55 =	vor.u32 v3, v9  }
0xd9: {  	v11 =	vld.idx.msk [tilespmem:v47+s23+$0x0], $0xffff  }
0xda: {  	v42 =	vld [tilespmem:s6+$0x60];
	v59 =	vor.u32 v4, v9  }
0xdb: {  	v15 =	vld.idx.msk [tilespmem:v51+s23+$0x0], $0xffff  }
0xdc: {  	v45 =	vld [tilespmem:s4+$0x60];
	v34 =	vadd.f32 v50, v49;
	v63 =	vor.u32 v5, v9;
	v10 =	vadd.f32 v48, v10  }
0xdd: {  	v37 =	vadd.f32 v54, v53;
	v19 =	vld.idx.msk [tilespmem:v55+s23+$0x0], $0xffff  }
0xde: {  	v49 =	vld [tilespmem:s6+$0x70];
	v36 =	vor.u32 v6, v9;
	v11 =	vadd.f32 v52, v11;
	v10 =	vmul.f32 v34, v10  }
0xdf: {  	v41 =	vadd.f32 v58, v57;
	v9 =	vor.u32 v7, v9;
	v23 =	vld.idx.msk [tilespmem:v59+s23+$0x0], $0xffff  }
0xe0: {  	v50 =	vld [tilespmem:s4+$0x70];
	v15 =	vadd.f32 v56, v15;
	v11 =	vmul.f32 v37, v11;
	v10 =	vadd.f32 $0.0e+00, v10  }
0xe1: {  	v44 =	vadd.f32 v62, v61;
	v27 =	vld.idx.msk [tilespmem:v63+s23+$0x0], $0xffff  }
0xe2: {  	v46 =	vld [tilespmem:s5+$0x60];
	v43 =	vadd.f32 v60, v19;
	v15 =	vmul.f32 v41, v15;
	v10 =	vadd.f32 v11, v10  }
0xe3: {  	v13 =	vadd.f32 v35, v33;
	v14 =	vld.idx.msk [tilespmem:v36+s23+$0x0], $0xffff  }
0xe4: {  	v9 =	vld.idx.msk [tilespmem:v9+s23+$0x0], $0xffff;
	v48 =	vadd.f32 v32, v23;
	v47 =	vmul.f32 v44, v43;
	v10 =	vadd.f32 v15, v10  }
0xe5: {  	v12 =	vadd.f32 v40, v39;
	v51 =	vld [tilespmem:s5+$0x70]  }
0xe6: {  	v16 =	vadd.f32 v38, v27;
	v13 =	vmul.f32 v13, v48;
	v10 =	vadd.f32 v47, v10  }
0xe7: {  	v52 =	vadd.f32 v46, v45  }
0xe8: {  	v12 =	vmul.f32 v12, v16;
	v11 =	vadd.f32 v42, v14;
	v10 =	vadd.f32 v13, v10  }
0xe9: {  	v9 =	vadd.f32 v49, v9  }
0xea: {  	v53 =	vadd.f32 v51, v50;
	v11 =	vmul.f32 v52, v11;
	v10 =	vadd.f32 v12, v10;
	_ =	sdelay $0x1  }
0xeb: {  	v9 =	vmul.f32 v53, v9;
	v10 =	vadd.f32 v11, v10;
	_ =	sdelay $0x1  }
0xec: {  	v9 =	vadd.f32 v9, v10;
	_ =	sdelay $0x1  }
0xed: {  	(xrf2) =	vadd.scan.msk.f32 $0xffff, v9;
	_ =	sdelay $0x4  }
0xee: {  	s8 =	sadd.s32 $0x3, s7  }
0xef: {  	v9 =	vmov s8  }
0xf0: {  	v54 =	vor.u32 $0x100, v9;
	_ =	sdelay $0x2  }
0xf1: {  	v55, _, _ =	vpop (xrf2)  }
0xf2: {  	[tilespmem:v8+s0+$0x0] =	vst.idx.msk vm0, v55  }
0xf3: {  	v8 =	vld.idx.msk [tilespmem:v54+s10+$0x0], $0xffff  }
0xf4: {  	v58 =	vld [tilespmem:s6+$0x80]  }
0xf5: {  	v59 =	vld [tilespmem:s4+$0x80]  }
0xf6: {  	v60 =	vld [tilespmem:s5+$0x80]  }
0xf7: {  	v62 =	vld [tilespmem:s6+$0x90]  }
0xf8: {  	v63 =	vld [tilespmem:s4+$0x90]  }
0xf9: {  	v32 =	vld [tilespmem:s5+$0x90]  }
0xfa: {  	v34 =	vld [tilespmem:s6+$0xA0]  }
0xfb: {  	v35 =	vld [tilespmem:s4+$0xA0]  }
0xfc: {  	v36 =	vld [tilespmem:s5+$0xA0]  }
0xfd: {  	v38 =	vld [tilespmem:s6+$0xB0]  }
0xfe: {  	v39 =	vld [tilespmem:s4+$0xB0]  }
0xff: {  	v40 =	vld [tilespmem:s5+$0xB0];
	v8 =	vshll.u32 v8, $0x7  }
0x100: {  	v42 =	vld [tilespmem:s6+$0xC0];
	v56 =	vor.u32 v0, v8  }
0x101: {  	v43 =	vld [tilespmem:s4+$0xC0]  }
0x102: {  	v45 =	vld [tilespmem:s5+$0xC0];
	v57 =	vor.u32 v1, v8  }
0x103: {  	v48 =	vld [tilespmem:s6+$0xD0]  }
0x104: {  	v49 =	vld [tilespmem:s4+$0xD0];
	v61 =	vor.u32 v2, v8  }
0x105: {  	v10 =	vld.idx.msk [tilespmem:v56+s23+$0x0], $0xffff  }
0x106: {  	v50 =	vld [tilespmem:s5+$0xD0];
	v33 =	vor.u32 v3, v8  }
0x107: {  	v11 =	vld.idx.msk [tilespmem:v57+s23+$0x0], $0xffff  }
0x108: {  	v52 =	vld [tilespmem:s6+$0xE0];
	v37 =	vor.u32 v4, v8  }
0x109: {  	v15 =	vld.idx.msk [tilespmem:v61+s23+$0x0], $0xffff  }
0x10a: {  	v55 =	vld [tilespmem:s4+$0xE0];
	v44 =	vadd.f32 v60, v59;
	v41 =	vor.u32 v5, v8;
	v10 =	vadd.f32 v58, v10  }
0x10b: {  	v47 =	vadd.f32 v32, v63;
	v19 =	vld.idx.msk [tilespmem:v33+s23+$0x0], $0xffff  }
0x10c: {  	v59 =	vld [tilespmem:s6+$0xF0];
	v46 =	vor.u32 v6, v8;
	v11 =	vadd.f32 v62, v11;
	v10 =	vmul.f32 v44, v10  }
0x10d: {  	v51 =	vadd.f32 v36, v35;
	v8 =	vor.u32 v7, v8;
	v23 =	vld.idx.msk [tilespmem:v37+s23+$0x0], $0xffff  }
0x10e: {  	v60 =	vld [tilespmem:s4+$0xF0];
	v15 =	vadd.f32 v34, v15;
	v11 =	vmul.f32 v47, v11;
	v10 =	vadd.f32 $0.0e+00, v10  }
0x10f: {  	v54 =	vadd.f32 v40, v39;
	v27 =	vld.idx.msk [tilespmem:v41+s23+$0x0], $0xffff  }
0x110: {  	v56 =	vld [tilespmem:s5+$0xE0];
	v53 =	vadd.f32 v38, v19;
	v15 =	vmul.f32 v51, v15;
	v10 =	vadd.f32 v11, v10  }
0x111: {  	v13 =	vadd.f32 v45, v43;
	v14 =	vld.idx.msk [tilespmem:v46+s23+$0x0], $0xffff  }
0x112: {  	v8 =	vld.idx.msk [tilespmem:v8+s23+$0x0], $0xffff;
	v58 =	vadd.f32 v42, v23;
	v57 =	vmul.f32 v54, v53;
	v10 =	vadd.f32 v15, v10  }
0x113: {  	v12 =	vadd.f32 v50, v49;
	v61 =	vld [tilespmem:s5+$0xF0]  }
0x114: {  	v16 =	vadd.f32 v48, v27;
	v13 =	vmul.f32 v13, v58;
	v10 =	vadd.f32 v57, v10  }
0x115: {  	v62 =	vadd.f32 v56, v55  }
0x116: {  	v12 =	vmul.f32 v12, v16;
	v11 =	vadd.f32 v52, v14;
	v10 =	vadd.f32 v13, v10  }
0x117: {  	v8 =	vadd.f32 v59, v8  }
0x118: {  	v63 =	vadd.f32 v61, v60;
	v11 =	vmul.f32 v62, v11;
	v10 =	vadd.f32 v12, v10;
	_ =	sdelay $0x1  }
0x119: {  	v8 =	vmul.f32 v63, v8;
	v10 =	vadd.f32 v11, v10;
	_ =	sdelay $0x1  }
0x11a: {  	v8 =	vadd.f32 v8, v10;
	_ =	sdelay $0x1  }
0x11b: {  	(xrf2) =	vadd.scan.msk.f32 $0xffff, v8;
	_ =	sdelay $0x5  }
0x11c: {  	p0 =	slt.u32 s7, $0x7C  }
.Ltmp0:
0x11d: {  	_ = 	snop;
	(pc) =	sbr.rel @p0 .LBB3_2-.Ltmp0, $3  }
0x11e: {  	_ =	sdelay $0x1  }
0x11f: {  	s7 =	sadd.s32 $0x4, s7;
	v8, _, _ =	vpop (xrf2)  }
0x120: {  	s4 =	sadd.s32 $0x200, s4;
	s6 =	sadd.s32 $0x200, s6;
	s5 =	sadd.s32 $0x200, s5;
	[tilespmem:v9+s0+$0x0] =	vst.idx.msk vm0, v8  }
0x121: {  	_ =	swait.ge [sflag:s1], $0x80  }
0x122: {  	[sflag:s1] =	ssyncset.done $0x0  }
0x123: {  	[sflag:s1] =	ssyncadd.s32 $0xFFFFFF80  }
0x124: {  	_ =	swait.ge [sflag:s1], $0x80  }
0x125: {  	[sflag:s1] =	ssyncset.done $0x0  }
0x126: {  	[sflag:s1] =	ssyncadd.s32 $0xFFFFFF80  }
0x127: {  	v8 =	vld [tilespmem:$0x100];
	_ =	sdelay $0x1  }
0x128: {  	v9 =	vld [tilespmem:$0x180];
	_ =	sdelay $0x2  }
0x129: {  	v10 =	vld [tilespmem:$0xC200]  }
0x12a: {  	v11 =	vld [tilespmem:$0xC280];
	_ =	sdelay $0x1  }
0x12b: {  	v8 =	vld.idx.msk [tilespmem:v8+s21+$0x0], $0xffff;
	_ =	sdelay $0x1  }
0x12c: {  	v9 =	vld.idx.msk [tilespmem:v9+s22+$0x0], $0xffff  }
0x12d: {  	v10 =	vadd.f32 v11, v10  }
0x12e: {  	v22 =	vld [tilespmem:$0xCF80]  }
0x12f: {  	v12 =	vld.msk [tilespmem:$0xD000 ss:$0x0], $0xffff;
	v8 =	vadd.f32 v8, v10  }
0x130: {  	v23 =	vld [tilespmem:$0x110]  }
0x131: {  	v8 =	vadd.f32 v9, v8  }
0x132: {  	v24 =	vld [tilespmem:$0x190]  }
0x133: {  	v8 =	vadd.f32 v8, v22;
	_ =	sdelay $0x1  }
0x134: {  	v25 =	vld [tilespmem:$0xC210];
	v8 =	vadd.f32 v8, v12  }
0x135: {  	v13 =	vld [tilespmem:$0xC290]  }
0x136: {  	[tilespmem:$0xCF80] =	vst v8  }
0x137: {  	v8 =	vld.idx.msk [tilespmem:v23+s21+$0x0], $0xffff;
	_ =	sdelay $0x1  }
0x138: {  	v9 =	vld.idx.msk [tilespmem:v24+s22+$0x0], $0xffff  }
0x139: {  	v26 =	vadd.f32 v13, v25  }
0x13a: {  	v27 =	vld [tilespmem:$0xCF90]  }
0x13b: {  	v8 =	vadd.f32 v8, v26  }
0x13c: {  	v28 =	vld [tilespmem:$0x120]  }
0x13d: {  	v8 =	vadd.f32 v9, v8  }
0x13e: {  	v29 =	vld [tilespmem:$0x1A0]  }
0x13f: {  	v8 =	vadd.f32 v8, v27;
	_ =	sdelay $0x1  }
0x140: {  	v30 =	vld [tilespmem:$0xC220];
	v8 =	vadd.f32 v8, v12  }
0x141: {  	v31 =	vld [tilespmem:$0xC2A0]  }
0x142: {  	[tilespmem:$0xCF90] =	vst v8  }
0x143: {  	v8 =	vld.idx.msk [tilespmem:v28+s21+$0x0], $0xffff;
	_ =	sdelay $0x1  }
0x144: {  	v9 =	vld.idx.msk [tilespmem:v29+s22+$0x0], $0xffff  }
0x145: {  	v32 =	vadd.f32 v31, v30  }
0x146: {  	v33 =	vld [tilespmem:$0xCFA0]  }
0x147: {  	v8 =	vadd.f32 v8, v32  }
0x148: {  	v34 =	vld [tilespmem:$0x130]  }
0x149: {  	v8 =	vadd.f32 v9, v8  }
0x14a: {  	v35 =	vld [tilespmem:$0x1B0]  }
0x14b: {  	v8 =	vadd.f32 v8, v33;
	_ =	sdelay $0x1  }
0x14c: {  	v36 =	vld [tilespmem:$0xC230];
	v8 =	vadd.f32 v8, v12  }
0x14d: {  	v37 =	vld [tilespmem:$0xC2B0]  }
0x14e: {  	[tilespmem:$0xCFA0] =	vst v8  }
0x14f: {  	v8 =	vld.idx.msk [tilespmem:v34+s21+$0x0], $0xffff;
	_ =	sdelay $0x1  }
0x150: {  	v9 =	vld.idx.msk [tilespmem:v35+s22+$0x0], $0xffff  }
0x151: {  	v38 =	vadd.f32 v37, v36  }
0x152: {  	v39 =	vld [tilespmem:$0xCFB0]  }
0x153: {  	v8 =	vadd.f32 v8, v38  }
0x154: {  	v40 =	vld [tilespmem:$0x140]  }
0x155: {  	v8 =	vadd.f32 v9, v8  }
0x156: {  	v41 =	vld [tilespmem:$0x1C0]  }
0x157: {  	v8 =	vadd.f32 v8, v39;
	_ =	sdelay $0x1  }
0x158: {  	v42 =	vld [tilespmem:$0xC240];
	v8 =	vadd.f32 v8, v12  }
0x159: {  	v43 =	vld [tilespmem:$0xC2C0]  }
0x15a: {  	[tilespmem:$0xCFB0] =	vst v8  }
0x15b: {  	v8 =	vld.idx.msk [tilespmem:v40+s21+$0x0], $0xffff;
	_ =	sdelay $0x1  }
0x15c: {  	v9 =	vld.idx.msk [tilespmem:v41+s22+$0x0], $0xffff  }
0x15d: {  	v44 =	vadd.f32 v43, v42  }
0x15e: {  	v45 =	vld [tilespmem:$0xCFC0]  }
0x15f: {  	v8 =	vadd.f32 v8, v44  }
0x160: {  	v46 =	vld [tilespmem:$0x150]  }
0x161: {  	v8 =	vadd.f32 v9, v8  }
0x162: {  	v47 =	vld [tilespmem:$0x1D0]  }
0x163: {  	v8 =	vadd.f32 v8, v45;
	_ =	sdelay $0x1  }
0x164: {  	v48 =	vld [tilespmem:$0xC250];
	v8 =	vadd.f32 v8, v12  }
0x165: {  	v49 =	vld [tilespmem:$0xC2D0]  }
0x166: {  	[tilespmem:$0xCFC0] =	vst v8  }
0x167: {  	v8 =	vld.idx.msk [tilespmem:v46+s21+$0x0], $0xffff;
	_ =	sdelay $0x1  }
0x168: {  	v9 =	vld.idx.msk [tilespmem:v47+s22+$0x0], $0xffff  }
0x169: {  	v50 =	vadd.f32 v49, v48  }
0x16a: {  	v51 =	vld [tilespmem:$0xCFD0]  }
0x16b: {  	v8 =	vadd.f32 v8, v50  }
0x16c: {  	v52 =	vld [tilespmem:$0x160]  }
0x16d: {  	v8 =	vadd.f32 v9, v8  }
0x16e: {  	v53 =	vld [tilespmem:$0x1E0]  }
0x16f: {  	v8 =	vadd.f32 v8, v51;
	_ =	sdelay $0x1  }
0x170: {  	v54 =	vld [tilespmem:$0xC260];
	v8 =	vadd.f32 v8, v12  }
0x171: {  	v55 =	vld [tilespmem:$0xC2E0]  }
0x172: {  	[tilespmem:$0xCFD0] =	vst v8  }
0x173: {  	v8 =	vld.idx.msk [tilespmem:v52+s21+$0x0], $0xffff;
	_ =	sdelay $0x1  }
0x174: {  	v9 =	vld.idx.msk [tilespmem:v53+s22+$0x0], $0xffff  }
0x175: {  	v56 =	vadd.f32 v55, v54  }
0x176: {  	v57 =	vld [tilespmem:$0xCFE0]  }
0x177: {  	v8 =	vadd.f32 v8, v56  }
0x178: {  	v58 =	vld [tilespmem:$0x170]  }
0x179: {  	v8 =	vadd.f32 v9, v8  }
0x17a: {  	v59 =	vld [tilespmem:$0x1F0]  }
0x17b: {  	v8 =	vadd.f32 v8, v57;
	_ =	sdelay $0x1  }
0x17c: {  	v60 =	vld [tilespmem:$0xC270];
	v8 =	vadd.f32 v8, v12  }
0x17d: {  	v61 =	vld [tilespmem:$0xC2F0]  }
0x17e: {  	[tilespmem:$0xCFE0] =	vst v8  }
0x17f: {  	v8 =	vld.idx.msk [tilespmem:v58+s21+$0x0], $0xffff;
	_ =	sdelay $0x1  }
0x180: {  	v9 =	vld.idx.msk [tilespmem:v59+s22+$0x0], $0xffff  }
0x181: {  	v62 =	vadd.f32 v61, v60  }
0x182: {  	v63 =	vld [tilespmem:$0xCFF0]  }
0x183: {  	v8 =	vadd.f32 v8, v62;
	_ =	sdelay $0x1  }
0x184: {  	v8 =	vadd.f32 v9, v8;
	_ =	sdelay $0x1  }
0x185: {  	v8 =	vadd.f32 v8, v63;
	_ =	sdelay $0x1  }
0x186: {  	s3 =	sadd.s32 $0x1, s3;
	v8 =	vadd.f32 v8, v12  }
0x187: {  	p0 =	sne.s32 s3, s17  }
.Ltmp1:
0x188: {  	[tilespmem:$0xCFF0] =	vst v8;
	(pc) =	sbr.rel @p0 .LBB3_1-.Ltmp1, $4  }
0x189: {  	[hbm4b:s16+s10] =	stream.linear.scatter [tilespmem:s0], [sflag:$0x5], $0x80, $0x38;
	[tilespmem:$0xD080] =	vst v63  }
0x18a: {  	_ =	swait.ge [sflag:s2], $0x80  }
0x18b: {  	[sflag:s2] =	ssyncset.done $0x0  }
0x18c: {  	[sflag:s2] =	ssyncadd.s32 $0xFFFFFF80  }
0x18d: {  	_ =	sfence.sel $0x180000  }
0x18e: {  	[bflag:$0x0] =	sbarrier.arrive $0xFFFF  }
0x18f: {  	_ =	strace $0x90000047  }
0x190: {  	s0 =	stileid.u32;
	[bflag:$0x2] =	sbarrier.arrive $0xFFFF  }
0x191: {  	p0 =	sne.s32 s0, $0x0;
	s0 =	rddreg [dreg:$0xe]  }
0x192: {  	s0 =	sadd.s32 @!p0 $0x100000, s0  }
0x193: {  	[sflag:s0] =	ssyncadd.tile.s32 @!p0 $0x1;
	_ =	shalt  }
.Lfunc_end3:
_tile_overlayer_lowered:
.L_overlay_start_3:
0x194: {  	(tag) =	ssettag $0x3  }
0x195: {  	s0 =	rddreg [dreg:$0x0];
	s2 =	stileid.u32  }
0x196: {  	s1 =	rddreg [dreg:$0x1];
	p0 =	sne.s32 s2, $0x0  }
0x197: {  	s3 =	rddreg [dreg:$0x2];
	[bflag:$0x3] =	sbarrier.arrive $0xFFFF;
	s2 =	simm.s32 @!p0 $0x1C05  }
0x198: {  	[timem:s3], [sflag:s2] =	dma.local @!p0 [hbm:s0], s1  }
0x199: {  	s0 =	simm.s32 @!p0 $0x5  }
0x19a: {  	_ =	swait.ge @!p0 [sflag:s0], s1  }
0x19b: {  	s1 =	ssub.s32 @!p0 $0x0, s1;
	[sflag:s0] =	ssyncset.done @!p0 $0x0  }
0x19c: {  	[sflag:s0] =	ssyncadd.s32 @!p0 s1  }
0x19d: {  	[bflag:$0x3] =	sbarrier.arrive $0xFFFF  }
0x19e: {  	_ =	shalt  }

</sc_bundles>
